<compile_context>
chip_gen: v7x
topology: tpu7x:2x2x1
jax: 0.10.2.dev20260603
libtpu: 0.0.44.dev20260713+nightly
codegen_flags: <defaults>
</compile_context>

<pallas_src>
import functools

import jax
import jax.numpy as jnp
from jax import lax
from jax.experimental import pallas as pl
from jax.experimental.pallas import tpu as pltpu
from jax.experimental.pallas import tpu_sc as plsc

B, N, IN_DIM, HID, CODE_DIM, N_CODES = 16, 4096, 16, 64, 32, 1024
ROWS = B * N
BLK = 8192
NBLK = ROWS // BLK
CCHUNK = 1024
NCHUNK = N_CODES // CCHUNK

_EPS = 1e-5
_BIG = 3.0e38


def _bf16_dot(a, b):
    return jnp.dot(a.astype(jnp.bfloat16), b.astype(jnp.bfloat16),
                   preferred_element_type=jnp.float32)


def _tc_body(x_ref, w_in_ref, b_in_ref, w1_ref, b1_ref, g1_ref, be1_ref,
             w2_ref, b2_ref, g2_ref, be2_ref, w_out_ref, b_out_ref, cbm2_ref,
             csq_ref, z_ref, tok_ref):
    h = _bf16_dot(x_ref[...], w_in_ref[...]) + b_in_ref[...]
    for w, b, g, be in ((w1_ref, b1_ref, g1_ref, be1_ref),
                        (w2_ref, b2_ref, g2_ref, be2_ref)):
        t = _bf16_dot(h, w[...]) + b[...]
        m = jnp.mean(t, axis=-1, keepdims=True)
        v = jnp.mean((t - m) * (t - m), axis=-1, keepdims=True)
        t = (t - m) / jnp.sqrt(v + _EPS) * g[...] + be[...]
        h = jnp.maximum(t, 0.0) + h
    z = _bf16_dot(h, w_out_ref[...]) + b_out_ref[...]
    z_ref[...] = z

    zb = z.astype(jnp.bfloat16)

    gmin = jnp.full((BLK,), _BIG, jnp.float32)
    gidx = jnp.zeros((BLK,), jnp.int32)
    gchunk = jnp.zeros((BLK,), jnp.int32)
    for c in range(NCHUNK):
        cbm2 = cbm2_ref[c * CCHUNK:(c + 1) * CCHUNK, :]
        mm = lax.dot_general(cbm2, zb, (((1,), (1,)), ((), ())),
                             preferred_element_type=jnp.float32)
        d = mm + csq_ref[c * CCHUNK:(c + 1) * CCHUNK, 0:1]
        cmin = jnp.min(d, axis=0)
        cidx = jnp.argmin(d, axis=0).astype(jnp.int32)
        better = cmin < gmin
        gmin = jnp.where(better, cmin, gmin)
        gidx = jnp.where(better, cidx, gidx)
        gchunk = jnp.where(better, c, gchunk)
    tok_ref[...] = gchunk * CCHUNK + gidx


def _encode_and_tokenize(x2d, w_in, b_in, w1, b1, g1, be1, w2, b2, g2, be2,
                         w_out, b_out, cbm2, csq, interpret=False):
    full = lambda shape: pl.BlockSpec(shape, lambda i: (0,) * len(shape))
    return pl.pallas_call(
        _tc_body,
        grid=(NBLK,),
        in_specs=[
            pl.BlockSpec((BLK, IN_DIM), lambda i: (i, 0)),
            full((IN_DIM, HID)), full((1, HID)),
            full((HID, HID)), full((1, HID)), full((1, HID)), full((1, HID)),
            full((HID, HID)), full((1, HID)), full((1, HID)), full((1, HID)),
            full((HID, CODE_DIM)), full((1, CODE_DIM)),
            full((N_CODES, CODE_DIM)),
            full((N_CODES, 1)),
        ],
        out_specs=[
            pl.BlockSpec((BLK, CODE_DIM), lambda i: (i, 0)),
            pl.BlockSpec((BLK,), lambda i: (i,)),
        ],
        out_shape=[
            jax.ShapeDtypeStruct((ROWS, CODE_DIM), jnp.float32),
            jax.ShapeDtypeStruct((ROWS,), jnp.int32),
        ],
        interpret=interpret,
    )(x2d, w_in, b_in, w1, b1, g1, be1, w2, b2, g2, be2, w_out, b_out,
      cbm2, csq)


def _sc_gather(codebook, tokens):
    info = plsc.get_sparse_core_info()
    nw = info.num_cores * info.num_subcores
    b_per_w = ROWS // nw
    chunk = 128
    n_chunks = b_per_w // chunk
    mesh = plsc.VectorSubcoreMesh(core_axis_name="c", subcore_axis_name="s")

    @functools.partial(
        pl.kernel, mesh=mesh,
        out_type=jax.ShapeDtypeStruct((ROWS, CODE_DIM), jnp.float32),
        scratch_types=[
            pltpu.VMEM((b_per_w,), jnp.int32),
            pltpu.VMEM((b_per_w, CODE_DIM), jnp.float32),
            pltpu.SemaphoreType.DMA,
        ],
        compiler_params=pltpu.CompilerParams(use_tc_tiling_on_sc=False),
    )
    def k(cb_hbm, tok_hbm, out_hbm, idx_v, rows_v, sem):
        wid = lax.axis_index("s") * info.num_cores + lax.axis_index("c")
        base = wid * b_per_w
        pltpu.sync_copy(tok_hbm.at[pl.ds(base, b_per_w)], idx_v)
        copies = []
        for j in range(n_chunks):
            copies.append(pltpu.async_copy(
                cb_hbm.at[idx_v.at[pl.ds(j * chunk, chunk)]],
                rows_v.at[pl.ds(j * chunk, chunk)],
                sem,
            ))
        for c in copies:
            c.wait()
        pltpu.sync_copy(rows_v, out_hbm.at[pl.ds(base, b_per_w)])

    return k(codebook, tokens)


def kernel(x, W_in, b_in, W1, b1, g1, be1, W2, b2, g2, be2, W_out, b_out,
           codebook):
    x2d = x.reshape(ROWS, IN_DIM)
    row = lambda v: v.reshape(1, -1)
    csq = jnp.sum(codebook * codebook, axis=1)[:, None]
    cbm2 = (-2.0 * codebook).astype(jnp.bfloat16)
    z, tokens = _encode_and_tokenize(
        x2d, W_in, row(b_in), W1, row(b1), row(g1), row(be1),
        W2, row(b2), row(g2), row(be2), W_out, row(b_out), cbm2, csq)
    z_q = _sc_gather(codebook, tokens)
    return (tokens.reshape(B, N),
            z_q.reshape(B, N, CODE_DIM),
            z.reshape(B, N, CODE_DIM))

# --- scband reference (transcript-rebuilt; emitter-appended) ---
"""Pipeline reference for scband-node-wise-tokenizer-88888643158441 (READ-ONLY COPY).

The authoritative reference and input builder live on the scoring server;
editing this copy changes nothing except your own understanding.
"""

import jax, jax.numpy as jnp
import numpy as np

B, N, IN_DIM, HID, CODE_DIM, N_CODES = 16, 4096, 16, 64, 32, 1024


def setup_inputs(seed: int = 0) -> dict:
    key = jax.random.key(seed)
    ks = jax.random.split(key, 10)
    inp = {
        "x": jax.random.normal(ks[0], (B, N, IN_DIM), dtype=jnp.float32),
        "W_in": jax.random.normal(ks[1], (IN_DIM, HID), dtype=jnp.float32) * 0.25,
        "b_in": jnp.zeros((HID,), dtype=jnp.float32),
        "W1": jax.random.normal(ks[2], (HID, HID), dtype=jnp.float32) * 0.125,
        "b1": jnp.zeros((HID,), dtype=jnp.float32),
        "g1": jnp.ones((HID,), dtype=jnp.float32),
        "be1": jnp.zeros((HID,), dtype=jnp.float32),
        "W2": jax.random.normal(ks[3], (HID, HID), dtype=jnp.float32) * 0.125,
        "b2": jnp.zeros((HID,), dtype=jnp.float32),
        "g2": jnp.ones((HID,), dtype=jnp.float32),
        "be2": jnp.zeros((HID,), dtype=jnp.float32),
        "W_out": jax.random.normal(ks[4], (HID, CODE_DIM), dtype=jnp.float32) * 0.125,
        "b_out": jnp.zeros((CODE_DIM,), dtype=jnp.float32),
        "codebook": jax.random.normal(ks[5], (N_CODES, CODE_DIM), dtype=jnp.float32),
    }
    return inp


def _layer_norm(h, g, b, eps=1e-5):
    m = jnp.mean(h, axis=-1, keepdims=True)
    v = jnp.var(h, axis=-1, keepdims=True)
    return (h - m) / jnp.sqrt(v + eps) * g + b


def reference(x, W_in, b_in, W1, b1, g1, be1, W2, b2, g2, be2, W_out, b_out, codebook):
    # EncoderMLP: input proj -> residual layernorm-relu blocks -> code_dim projection
    h = x @ W_in + b_in
    for W, b, g, be in ((W1, b1, g1, be1), (W2, b2, g2, be2)):
        h = jax.nn.relu(_layer_norm(h @ W + b, g, be)) + h  # residual, norm='layer', relu
    z = h @ W_out + b_out  # pre-VQ embeddings [B, N, code_dim]

    # VectorQuantizerEMA (eval / forward-tokenize path): nearest-code assignment
    Bv, Nv, C = z.shape
    flat = z.reshape(-1, C)
    d = (jnp.sum(flat ** 2, axis=1, keepdims=True)
         - 2.0 * flat @ codebook.T
         + jnp.sum(codebook ** 2, axis=1)[None, :])
    tokens_flat = jnp.argmin(d, axis=1)
    z_q_flat = jnp.take(codebook, tokens_flat, axis=0)
    # straight-through estimator
    z_q_st = flat + jax.lax.stop_gradient(z_q_flat - flat)

    node_tokens = tokens_flat.reshape(Bv, Nv)
    node_embeddings = z_q_st.reshape(Bv, Nv, C)
    pre_vq_embeddings = z
    return node_tokens, node_embeddings, pre_vq_embeddings

if __name__ == "__main__":
    import jax
    _d = setup_inputs()
    print(jax.jit(kernel)(*tuple(_d.values())))

</pallas_src>

<mosaic_0001>
#map = affine_map<(d0, d1) -> (0, 0)>
#map1 = affine_map<(d0, d1) -> (0)>
module attributes {stable_mosaic.version = 14 : i64} {
  func.func @k(%arg0: i32, %arg1: i32, %arg2: memref<1024x32xf32, #tpu.memory_space<hbm>>, %arg3: memref<65536xi32, #tpu.memory_space<hbm>>, %arg4: memref<65536x32xf32, #tpu.memory_space<hbm>>, %arg5: memref<2048xi32, #tpu.memory_space<vmem>>, %arg6: memref<2048x32xf32, #tpu.memory_space<vmem>>, %arg7: memref<!tpu.dma_semaphore, #tpu.memory_space<semaphore_mem>>) attributes {dimension_semantics = [#tpu.dimension_semantics<core_parallel>, #tpu.dimension_semantics<subcore_parallel>], iteration_bounds = array<i64: 2, 16>, scalar_prefetch = 0 : i64, scratch_operands = 3 : i64, tpu.core_type = #tpu.core_type<sc_vector_subcore>, window_params = [{transform_indices = #map}, {transform_indices = #map1}, {transform_indices = #map}]} {
    %mul3A = arith.constant 2 : i32
    %mul3A_0 = arith.muli %arg1, %mul3A : i32
    %add3A = arith.addi %mul3A_0, %arg0 : i32
    %mul3A_1 = arith.constant 2048 : i32
    %mul3A_2 = arith.muli %add3A, %mul3A_1 : i32
    "tpu.region"() ({
      %run_scoped3A = tpu.sem_alloc : memref<!tpu.dma_semaphore, #tpu.memory_space<semaphore_mem>>
      %dma_start3A_257 = tpu.memref_slice %arg3[%mul3A_2] : memref<65536xi32, #tpu.memory_space<hbm>> -> memref<2048xi32, #tpu.memory_space<hbm>>
      %dma_start3A_258 = tpu.memref_slice %arg3[%mul3A_2] : memref<65536xi32, #tpu.memory_space<hbm>> -> memref<2048xi32, #tpu.memory_space<hbm>>
      tpu.enqueue_dma source(%dma_start3A_258 : memref<2048xi32, #tpu.memory_space<hbm>>) target(%arg5 : memref<2048xi32, #tpu.memory_space<vmem>>) target_semaphore(%run_scoped3A : memref<!tpu.dma_semaphore, #tpu.memory_space<semaphore_mem>>)
      %dma_wait3A_259 = tpu.memref_slice %arg3[%mul3A_2] : memref<65536xi32, #tpu.memory_space<hbm>> -> memref<2048xi32, #tpu.memory_space<hbm>>
      %dma_wait3A_260 = tpu.memref_slice %arg3[%mul3A_2] : memref<65536xi32, #tpu.memory_space<hbm>> -> memref<2048xi32, #tpu.memory_space<hbm>>
      tpu.wait_dma2 semaphore(%run_scoped3A : memref<!tpu.dma_semaphore, #tpu.memory_space<semaphore_mem>>) src(%dma_wait3A_260 : memref<2048xi32, #tpu.memory_space<hbm>>) dst(%arg5 : memref<2048xi32, #tpu.memory_space<vmem>>)
      tpu.yield
    }) : () -> ()
    %dma_start3A = arith.constant 0 : i32
    %dma_start3A_3 = arith.constant 0 : i32
    %dma_start3A_4 = tpu.memref_slice %arg6[%dma_start3A, %dma_start3A_3] : memref<2048x32xf32, #tpu.memory_space<vmem>> -> memref<128x32xf32, #tpu.memory_space<vmem>>
    %dma_start3A_5 = arith.constant 0 : i32
    %dma_start3A_6 = tpu.memref_slice %arg5[%dma_start3A_5] : memref<2048xi32, #tpu.memory_space<vmem>> -> memref<128xi32, #tpu.memory_space<vmem>>
    %dma_start3A_7 = arith.constant 0 : i32
    %dma_start3A_8 = arith.constant 0 : i32
    %dma_start3A_9 = tpu.memref_slice %arg2[%dma_start3A_7, %dma_start3A_8] : memref<1024x32xf32, #tpu.memory_space<hbm>> -> memref<1024x32xf32, #tpu.memory_space<hbm>>
    tpu.enqueue_indirect_dma source(%dma_start3A_9 : memref<1024x32xf32, #tpu.memory_space<hbm>>) target(%dma_start3A_4 : memref<128x32xf32, #tpu.memory_space<vmem>>) offsets(%dma_start3A_6 : memref<128xi32, #tpu.memory_space<vmem>>) semaphore(%arg7 : memref<!tpu.dma_semaphore, #tpu.memory_space<semaphore_mem>>)
    %dma_start3A_10 = arith.constant 128 : i32
    %dma_start3A_11 = arith.constant 0 : i32
    %dma_start3A_12 = tpu.memref_slice %arg6[%dma_start3A_10, %dma_start3A_11] : memref<2048x32xf32, #tpu.memory_space<vmem>> -> memref<128x32xf32, #tpu.memory_space<vmem>>
    %dma_start3A_13 = arith.constant 128 : i32
    %dma_start3A_14 = tpu.memref_slice %arg5[%dma_start3A_13] : memref<2048xi32, #tpu.memory_space<vmem>> -> memref<128xi32, #tpu.memory_space<vmem>>
    %dma_start3A_15 = arith.constant 0 : i32
    %dma_start3A_16 = arith.constant 0 : i32
    %dma_start3A_17 = tpu.memref_slice %arg2[%dma_start3A_15, %dma_start3A_16] : memref<1024x32xf32, #tpu.memory_space<hbm>> -> memref<1024x32xf32, #tpu.memory_space<hbm>>
    tpu.enqueue_indirect_dma source(%dma_start3A_17 : memref<1024x32xf32, #tpu.memory_space<hbm>>) target(%dma_start3A_12 : memref<128x32xf32, #tpu.memory_space<vmem>>) offsets(%dma_start3A_14 : memref<128xi32, #tpu.memory_space<vmem>>) semaphore(%arg7 : memref<!tpu.dma_semaphore, #tpu.memory_space<semaphore_mem>>)
    %dma_start3A_18 = arith.constant 256 : i32
    %dma_start3A_19 = arith.constant 0 : i32
    %dma_start3A_20 = tpu.memref_slice %arg6[%dma_start3A_18, %dma_start3A_19] : memref<2048x32xf32, #tpu.memory_space<vmem>> -> memref<128x32xf32, #tpu.memory_space<vmem>>
    %dma_start3A_21 = arith.constant 256 : i32
    %dma_start3A_22 = tpu.memref_slice %arg5[%dma_start3A_21] : memref<2048xi32, #tpu.memory_space<vmem>> -> memref<128xi32, #tpu.memory_space<vmem>>
    %dma_start3A_23 = arith.constant 0 : i32
    %dma_start3A_24 = arith.constant 0 : i32
    %dma_start3A_25 = tpu.memref_slice %arg2[%dma_start3A_23, %dma_start3A_24] : memref<1024x32xf32, #tpu.memory_space<hbm>> -> memref<1024x32xf32, #tpu.memory_space<hbm>>
    tpu.enqueue_indirect_dma source(%dma_start3A_25 : memref<1024x32xf32, #tpu.memory_space<hbm>>) target(%dma_start3A_20 : memref<128x32xf32, #tpu.memory_space<vmem>>) offsets(%dma_start3A_22 : memref<128xi32, #tpu.memory_space<vmem>>) semaphore(%arg7 : memref<!tpu.dma_semaphore, #tpu.memory_space<semaphore_mem>>)
    %dma_start3A_26 = arith.constant 384 : i32
    %dma_start3A_27 = arith.constant 0 : i32
    %dma_start3A_28 = tpu.memref_slice %arg6[%dma_start3A_26, %dma_start3A_27] : memref<2048x32xf32, #tpu.memory_space<vmem>> -> memref<128x32xf32, #tpu.memory_space<vmem>>
    %dma_start3A_29 = arith.constant 384 : i32
    %dma_start3A_30 = tpu.memref_slice %arg5[%dma_start3A_29] : memref<2048xi32, #tpu.memory_space<vmem>> -> memref<128xi32, #tpu.memory_space<vmem>>
    %dma_start3A_31 = arith.constant 0 : i32
    %dma_start3A_32 = arith.constant 0 : i32
    %dma_start3A_33 = tpu.memref_slice %arg2[%dma_start3A_31, %dma_start3A_32] : memref<1024x32xf32, #tpu.memory_space<hbm>> -> memref<1024x32xf32, #tpu.memory_space<hbm>>
    tpu.enqueue_indirect_dma source(%dma_start3A_33 : memref<1024x32xf32, #tpu.memory_space<hbm>>) target(%dma_start3A_28 : memref<128x32xf32, #tpu.memory_space<vmem>>) offsets(%dma_start3A_30 : memref<128xi32, #tpu.memory_space<vmem>>) semaphore(%arg7 : memref<!tpu.dma_semaphore, #tpu.memory_space<semaphore_mem>>)
    %dma_start3A_34 = arith.constant 512 : i32
    %dma_start3A_35 = arith.constant 0 : i32
    %dma_start3A_36 = tpu.memref_slice %arg6[%dma_start3A_34, %dma_start3A_35] : memref<2048x32xf32, #tpu.memory_space<vmem>> -> memref<128x32xf32, #tpu.memory_space<vmem>>
    %dma_start3A_37 = arith.constant 512 : i32
    %dma_start3A_38 = tpu.memref_slice %arg5[%dma_start3A_37] : memref<2048xi32, #tpu.memory_space<vmem>> -> memref<128xi32, #tpu.memory_space<vmem>>
    %dma_start3A_39 = arith.constant 0 : i32
    %dma_start3A_40 = arith.constant 0 : i32
    %dma_start3A_41 = tpu.memref_slice %arg2[%dma_start3A_39, %dma_start3A_40] : memref<1024x32xf32, #tpu.memory_space<hbm>> -> memref<1024x32xf32, #tpu.memory_space<hbm>>
    tpu.enqueue_indirect_dma source(%dma_start3A_41 : memref<1024x32xf32, #tpu.memory_space<hbm>>) target(%dma_start3A_36 : memref<128x32xf32, #tpu.memory_space<vmem>>) offsets(%dma_start3A_38 : memref<128xi32, #tpu.memory_space<vmem>>) semaphore(%arg7 : memref<!tpu.dma_semaphore, #tpu.memory_space<semaphore_mem>>)
    %dma_start3A_42 = arith.constant 640 : i32
    %dma_start3A_43 = arith.constant 0 : i32
    %dma_start3A_44 = tpu.memref_slice %arg6[%dma_start3A_42, %dma_start3A_43] : memref<2048x32xf32, #tpu.memory_space<vmem>> -> memref<128x32xf32, #tpu.memory_space<vmem>>
    %dma_start3A_45 = arith.constant 640 : i32
    %dma_start3A_46 = tpu.memref_slice %arg5[%dma_start3A_45] : memref<2048xi32, #tpu.memory_space<vmem>> -> memref<128xi32, #tpu.memory_space<vmem>>
    %dma_start3A_47 = arith.constant 0 : i32
    %dma_start3A_48 = arith.constant 0 : i32
    %dma_start3A_49 = tpu.memref_slice %arg2[%dma_start3A_47, %dma_start3A_48] : memref<1024x32xf32, #tpu.memory_space<hbm>> -> memref<1024x32xf32, #tpu.memory_space<hbm>>
    tpu.enqueue_indirect_dma source(%dma_start3A_49 : memref<1024x32xf32, #tpu.memory_space<hbm>>) target(%dma_start3A_44 : memref<128x32xf32, #tpu.memory_space<vmem>>) offsets(%dma_start3A_46 : memref<128xi32, #tpu.memory_space<vmem>>) semaphore(%arg7 : memref<!tpu.dma_semaphore, #tpu.memory_space<semaphore_mem>>)
    %dma_start3A_50 = arith.constant 768 : i32
    %dma_start3A_51 = arith.constant 0 : i32
    %dma_start3A_52 = tpu.memref_slice %arg6[%dma_start3A_50, %dma_start3A_51] : memref<2048x32xf32, #tpu.memory_space<vmem>> -> memref<128x32xf32, #tpu.memory_space<vmem>>
    %dma_start3A_53 = arith.constant 768 : i32
    %dma_start3A_54 = tpu.memref_slice %arg5[%dma_start3A_53] : memref<2048xi32, #tpu.memory_space<vmem>> -> memref<128xi32, #tpu.memory_space<vmem>>
    %dma_start3A_55 = arith.constant 0 : i32
    %dma_start3A_56 = arith.constant 0 : i32
    %dma_start3A_57 = tpu.memref_slice %arg2[%dma_start3A_55, %dma_start3A_56] : memref<1024x32xf32, #tpu.memory_space<hbm>> -> memref<1024x32xf32, #tpu.memory_space<hbm>>
    tpu.enqueue_indirect_dma source(%dma_start3A_57 : memref<1024x32xf32, #tpu.memory_space<hbm>>) target(%dma_start3A_52 : memref<128x32xf32, #tpu.memory_space<vmem>>) offsets(%dma_start3A_54 : memref<128xi32, #tpu.memory_space<vmem>>) semaphore(%arg7 : memref<!tpu.dma_semaphore, #tpu.memory_space<semaphore_mem>>)
    %dma_start3A_58 = arith.constant 896 : i32
    %dma_start3A_59 = arith.constant 0 : i32
    %dma_start3A_60 = tpu.memref_slice %arg6[%dma_start3A_58, %dma_start3A_59] : memref<2048x32xf32, #tpu.memory_space<vmem>> -> memref<128x32xf32, #tpu.memory_space<vmem>>
    %dma_start3A_61 = arith.constant 896 : i32
    %dma_start3A_62 = tpu.memref_slice %arg5[%dma_start3A_61] : memref<2048xi32, #tpu.memory_space<vmem>> -> memref<128xi32, #tpu.memory_space<vmem>>
    %dma_start3A_63 = arith.constant 0 : i32
    %dma_start3A_64 = arith.constant 0 : i32
    %dma_start3A_65 = tpu.memref_slice %arg2[%dma_start3A_63, %dma_start3A_64] : memref<1024x32xf32, #tpu.memory_space<hbm>> -> memref<1024x32xf32, #tpu.memory_space<hbm>>
    tpu.enqueue_indirect_dma source(%dma_start3A_65 : memref<1024x32xf32, #tpu.memory_space<hbm>>) target(%dma_start3A_60 : memref<128x32xf32, #tpu.memory_space<vmem>>) offsets(%dma_start3A_62 : memref<128xi32, #tpu.memory_space<vmem>>) semaphore(%arg7 : memref<!tpu.dma_semaphore, #tpu.memory_space<semaphore_mem>>)
    %dma_start3A_66 = arith.constant 1024 : i32
    %dma_start3A_67 = arith.constant 0 : i32
    %dma_start3A_68 = tpu.memref_slice %arg6[%dma_start3A_66, %dma_start3A_67] : memref<2048x32xf32, #tpu.memory_space<vmem>> -> memref<128x32xf32, #tpu.memory_space<vmem>>
    %dma_start3A_69 = arith.constant 1024 : i32
    %dma_start3A_70 = tpu.memref_slice %arg5[%dma_start3A_69] : memref<2048xi32, #tpu.memory_space<vmem>> -> memref<128xi32, #tpu.memory_space<vmem>>
    %dma_start3A_71 = arith.constant 0 : i32
    %dma_start3A_72 = arith.constant 0 : i32
    %dma_start3A_73 = tpu.memref_slice %arg2[%dma_start3A_71, %dma_start3A_72] : memref<1024x32xf32, #tpu.memory_space<hbm>> -> memref<1024x32xf32, #tpu.memory_space<hbm>>
    tpu.enqueue_indirect_dma source(%dma_start3A_73 : memref<1024x32xf32, #tpu.memory_space<hbm>>) target(%dma_start3A_68 : memref<128x32xf32, #tpu.memory_space<vmem>>) offsets(%dma_start3A_70 : memref<128xi32, #tpu.memory_space<vmem>>) semaphore(%arg7 : memref<!tpu.dma_semaphore, #tpu.memory_space<semaphore_mem>>)
    %dma_start3A_74 = arith.constant 1152 : i32
    %dma_start3A_75 = arith.constant 0 : i32
    %dma_start3A_76 = tpu.memref_slice %arg6[%dma_start3A_74, %dma_start3A_75] : memref<2048x32xf32, #tpu.memory_space<vmem>> -> memref<128x32xf32, #tpu.memory_space<vmem>>
    %dma_start3A_77 = arith.constant 1152 : i32
    %dma_start3A_78 = tpu.memref_slice %arg5[%dma_start3A_77] : memref<2048xi32, #tpu.memory_space<vmem>> -> memref<128xi32, #tpu.memory_space<vmem>>
    %dma_start3A_79 = arith.constant 0 : i32
    %dma_start3A_80 = arith.constant 0 : i32
    %dma_start3A_81 = tpu.memref_slice %arg2[%dma_start3A_79, %dma_start3A_80] : memref<1024x32xf32, #tpu.memory_space<hbm>> -> memref<1024x32xf32, #tpu.memory_space<hbm>>
    tpu.enqueue_indirect_dma source(%dma_start3A_81 : memref<1024x32xf32, #tpu.memory_space<hbm>>) target(%dma_start3A_76 : memref<128x32xf32, #tpu.memory_space<vmem>>) offsets(%dma_start3A_78 : memref<128xi32, #tpu.memory_space<vmem>>) semaphore(%arg7 : memref<!tpu.dma_semaphore, #tpu.memory_space<semaphore_mem>>)
    %dma_start3A_82 = arith.constant 1280 : i32
    %dma_start3A_83 = arith.constant 0 : i32
    %dma_start3A_84 = tpu.memref_slice %arg6[%dma_start3A_82, %dma_start3A_83] : memref<2048x32xf32, #tpu.memory_space<vmem>> -> memref<128x32xf32, #tpu.memory_space<vmem>>
    %dma_start3A_85 = arith.constant 1280 : i32
    %dma_start3A_86 = tpu.memref_slice %arg5[%dma_start3A_85] : memref<2048xi32, #tpu.memory_space<vmem>> -> memref<128xi32, #tpu.memory_space<vmem>>
    %dma_start3A_87 = arith.constant 0 : i32
    %dma_start3A_88 = arith.constant 0 : i32
    %dma_start3A_89 = tpu.memref_slice %arg2[%dma_start3A_87, %dma_start3A_88] : memref<1024x32xf32, #tpu.memory_space<hbm>> -> memref<1024x32xf32, #tpu.memory_space<hbm>>
    tpu.enqueue_indirect_dma source(%dma_start3A_89 : memref<1024x32xf32, #tpu.memory_space<hbm>>) target(%dma_start3A_84 : memref<128x32xf32, #tpu.memory_space<vmem>>) offsets(%dma_start3A_86 : memref<128xi32, #tpu.memory_space<vmem>>) semaphore(%arg7 : memref<!tpu.dma_semaphore, #tpu.memory_space<semaphore_mem>>)
    %dma_start3A_90 = arith.constant 1408 : i32
    %dma_start3A_91 = arith.constant 0 : i32
    %dma_start3A_92 = tpu.memref_slice %arg6[%dma_start3A_90, %dma_start3A_91] : memref<2048x32xf32, #tpu.memory_space<vmem>> -> memref<128x32xf32, #tpu.memory_space<vmem>>
    %dma_start3A_93 = arith.constant 1408 : i32
    %dma_start3A_94 = tpu.memref_slice %arg5[%dma_start3A_93] : memref<2048xi32, #tpu.memory_space<vmem>> -> memref<128xi32, #tpu.memory_space<vmem>>
    %dma_start3A_95 = arith.constant 0 : i32
    %dma_start3A_96 = arith.constant 0 : i32
    %dma_start3A_97 = tpu.memref_slice %arg2[%dma_start3A_95, %dma_start3A_96] : memref<1024x32xf32, #tpu.memory_space<hbm>> -> memref<1024x32xf32, #tpu.memory_space<hbm>>
    tpu.enqueue_indirect_dma source(%dma_start3A_97 : memref<1024x32xf32, #tpu.memory_space<hbm>>) target(%dma_start3A_92 : memref<128x32xf32, #tpu.memory_space<vmem>>) offsets(%dma_start3A_94 : memref<128xi32, #tpu.memory_space<vmem>>) semaphore(%arg7 : memref<!tpu.dma_semaphore, #tpu.memory_space<semaphore_mem>>)
    %dma_start3A_98 = arith.constant 1536 : i32
    %dma_start3A_99 = arith.constant 0 : i32
    %dma_start3A_100 = tpu.memref_slice %arg6[%dma_start3A_98, %dma_start3A_99] : memref<2048x32xf32, #tpu.memory_space<vmem>> -> memref<128x32xf32, #tpu.memory_space<vmem>>
    %dma_start3A_101 = arith.constant 1536 : i32
    %dma_start3A_102 = tpu.memref_slice %arg5[%dma_start3A_101] : memref<2048xi32, #tpu.memory_space<vmem>> -> memref<128xi32, #tpu.memory_space<vmem>>
    %dma_start3A_103 = arith.constant 0 : i32
    %dma_start3A_104 = arith.constant 0 : i32
    %dma_start3A_105 = tpu.memref_slice %arg2[%dma_start3A_103, %dma_start3A_104] : memref<1024x32xf32, #tpu.memory_space<hbm>> -> memref<1024x32xf32, #tpu.memory_space<hbm>>
    tpu.enqueue_indirect_dma source(%dma_start3A_105 : memref<1024x32xf32, #tpu.memory_space<hbm>>) target(%dma_start3A_100 : memref<128x32xf32, #tpu.memory_space<vmem>>) offsets(%dma_start3A_102 : memref<128xi32, #tpu.memory_space<vmem>>) semaphore(%arg7 : memref<!tpu.dma_semaphore, #tpu.memory_space<semaphore_mem>>)
    %dma_start3A_106 = arith.constant 1664 : i32
    %dma_start3A_107 = arith.constant 0 : i32
    %dma_start3A_108 = tpu.memref_slice %arg6[%dma_start3A_106, %dma_start3A_107] : memref<2048x32xf32, #tpu.memory_space<vmem>> -> memref<128x32xf32, #tpu.memory_space<vmem>>
    %dma_start3A_109 = arith.constant 1664 : i32
    %dma_start3A_110 = tpu.memref_slice %arg5[%dma_start3A_109] : memref<2048xi32, #tpu.memory_space<vmem>> -> memref<128xi32, #tpu.memory_space<vmem>>
    %dma_start3A_111 = arith.constant 0 : i32
    %dma_start3A_112 = arith.constant 0 : i32
    %dma_start3A_113 = tpu.memref_slice %arg2[%dma_start3A_111, %dma_start3A_112] : memref<1024x32xf32, #tpu.memory_space<hbm>> -> memref<1024x32xf32, #tpu.memory_space<hbm>>
    tpu.enqueue_indirect_dma source(%dma_start3A_113 : memref<1024x32xf32, #tpu.memory_space<hbm>>) target(%dma_start3A_108 : memref<128x32xf32, #tpu.memory_space<vmem>>) offsets(%dma_start3A_110 : memref<128xi32, #tpu.memory_space<vmem>>) semaphore(%arg7 : memref<!tpu.dma_semaphore, #tpu.memory_space<semaphore_mem>>)
    %dma_start3A_114 = arith.constant 1792 : i32
    %dma_start3A_115 = arith.constant 0 : i32
    %dma_start3A_116 = tpu.memref_slice %arg6[%dma_start3A_114, %dma_start3A_115] : memref<2048x32xf32, #tpu.memory_space<vmem>> -> memref<128x32xf32, #tpu.memory_space<vmem>>
    %dma_start3A_117 = arith.constant 1792 : i32
    %dma_start3A_118 = tpu.memref_slice %arg5[%dma_start3A_117] : memref<2048xi32, #tpu.memory_space<vmem>> -> memref<128xi32, #tpu.memory_space<vmem>>
    %dma_start3A_119 = arith.constant 0 : i32
    %dma_start3A_120 = arith.constant 0 : i32
    %dma_start3A_121 = tpu.memref_slice %arg2[%dma_start3A_119, %dma_start3A_120] : memref<1024x32xf32, #tpu.memory_space<hbm>> -> memref<1024x32xf32, #tpu.memory_space<hbm>>
    tpu.enqueue_indirect_dma source(%dma_start3A_121 : memref<1024x32xf32, #tpu.memory_space<hbm>>) target(%dma_start3A_116 : memref<128x32xf32, #tpu.memory_space<vmem>>) offsets(%dma_start3A_118 : memref<128xi32, #tpu.memory_space<vmem>>) semaphore(%arg7 : memref<!tpu.dma_semaphore, #tpu.memory_space<semaphore_mem>>)
    %dma_start3A_122 = arith.constant 1920 : i32
    %dma_start3A_123 = arith.constant 0 : i32
    %dma_start3A_124 = tpu.memref_slice %arg6[%dma_start3A_122, %dma_start3A_123] : memref<2048x32xf32, #tpu.memory_space<vmem>> -> memref<128x32xf32, #tpu.memory_space<vmem>>
    %dma_start3A_125 = arith.constant 1920 : i32
    %dma_start3A_126 = tpu.memref_slice %arg5[%dma_start3A_125] : memref<2048xi32, #tpu.memory_space<vmem>> -> memref<128xi32, #tpu.memory_space<vmem>>
    %dma_start3A_127 = arith.constant 0 : i32
    %dma_start3A_128 = arith.constant 0 : i32
    %dma_start3A_129 = tpu.memref_slice %arg2[%dma_start3A_127, %dma_start3A_128] : memref<1024x32xf32, #tpu.memory_space<hbm>> -> memref<1024x32xf32, #tpu.memory_space<hbm>>
    tpu.enqueue_indirect_dma source(%dma_start3A_129 : memref<1024x32xf32, #tpu.memory_space<hbm>>) target(%dma_start3A_124 : memref<128x32xf32, #tpu.memory_space<vmem>>) offsets(%dma_start3A_126 : memref<128xi32, #tpu.memory_space<vmem>>) semaphore(%arg7 : memref<!tpu.dma_semaphore, #tpu.memory_space<semaphore_mem>>)
    %dma_wait3A = arith.constant 0 : i32
    %dma_wait3A_130 = arith.constant 0 : i32
    %dma_wait3A_131 = tpu.memref_slice %arg6[%dma_wait3A, %dma_wait3A_130] : memref<2048x32xf32, #tpu.memory_space<vmem>> -> memref<128x32xf32, #tpu.memory_space<vmem>>
    %dma_wait3A_132 = arith.constant 0 : i32
    %dma_wait3A_133 = tpu.memref_slice %arg5[%dma_wait3A_132] : memref<2048xi32, #tpu.memory_space<vmem>> -> memref<128xi32, #tpu.memory_space<vmem>>
    %dma_wait3A_134 = arith.constant 0 : i32
    %dma_wait3A_135 = arith.constant 0 : i32
    %dma_wait3A_136 = tpu.memref_slice %arg2[%dma_wait3A_134, %dma_wait3A_135] : memref<1024x32xf32, #tpu.memory_space<hbm>> -> memref<1024x32xf32, #tpu.memory_space<hbm>>
    tpu.wait_indirect_dma semaphore(%arg7 : memref<!tpu.dma_semaphore, #tpu.memory_space<semaphore_mem>>) src(%dma_wait3A_136 : memref<1024x32xf32, #tpu.memory_space<hbm>>) dst(%dma_wait3A_131 : memref<128x32xf32, #tpu.memory_space<vmem>>)
    %dma_wait3A_137 = arith.constant 128 : i32
    %dma_wait3A_138 = arith.constant 0 : i32
    %dma_wait3A_139 = tpu.memref_slice %arg6[%dma_wait3A_137, %dma_wait3A_138] : memref<2048x32xf32, #tpu.memory_space<vmem>> -> memref<128x32xf32, #tpu.memory_space<vmem>>
    %dma_wait3A_140 = arith.constant 128 : i32
    %dma_wait3A_141 = tpu.memref_slice %arg5[%dma_wait3A_140] : memref<2048xi32, #tpu.memory_space<vmem>> -> memref<128xi32, #tpu.memory_space<vmem>>
    %dma_wait3A_142 = arith.constant 0 : i32
    %dma_wait3A_143 = arith.constant 0 : i32
    %dma_wait3A_144 = tpu.memref_slice %arg2[%dma_wait3A_142, %dma_wait3A_143] : memref<1024x32xf32, #tpu.memory_space<hbm>> -> memref<1024x32xf32, #tpu.memory_space<hbm>>
    tpu.wait_indirect_dma semaphore(%arg7 : memref<!tpu.dma_semaphore, #tpu.memory_space<semaphore_mem>>) src(%dma_wait3A_144 : memref<1024x32xf32, #tpu.memory_space<hbm>>) dst(%dma_wait3A_139 : memref<128x32xf32, #tpu.memory_space<vmem>>)
    %dma_wait3A_145 = arith.constant 256 : i32
    %dma_wait3A_146 = arith.constant 0 : i32
    %dma_wait3A_147 = tpu.memref_slice %arg6[%dma_wait3A_145, %dma_wait3A_146] : memref<2048x32xf32, #tpu.memory_space<vmem>> -> memref<128x32xf32, #tpu.memory_space<vmem>>
    %dma_wait3A_148 = arith.constant 256 : i32
    %dma_wait3A_149 = tpu.memref_slice %arg5[%dma_wait3A_148] : memref<2048xi32, #tpu.memory_space<vmem>> -> memref<128xi32, #tpu.memory_space<vmem>>
    %dma_wait3A_150 = arith.constant 0 : i32
    %dma_wait3A_151 = arith.constant 0 : i32
    %dma_wait3A_152 = tpu.memref_slice %arg2[%dma_wait3A_150, %dma_wait3A_151] : memref<1024x32xf32, #tpu.memory_space<hbm>> -> memref<1024x32xf32, #tpu.memory_space<hbm>>
    tpu.wait_indirect_dma semaphore(%arg7 : memref<!tpu.dma_semaphore, #tpu.memory_space<semaphore_mem>>) src(%dma_wait3A_152 : memref<1024x32xf32, #tpu.memory_space<hbm>>) dst(%dma_wait3A_147 : memref<128x32xf32, #tpu.memory_space<vmem>>)
    %dma_wait3A_153 = arith.constant 384 : i32
    %dma_wait3A_154 = arith.constant 0 : i32
    %dma_wait3A_155 = tpu.memref_slice %arg6[%dma_wait3A_153, %dma_wait3A_154] : memref<2048x32xf32, #tpu.memory_space<vmem>> -> memref<128x32xf32, #tpu.memory_space<vmem>>
    %dma_wait3A_156 = arith.constant 384 : i32
    %dma_wait3A_157 = tpu.memref_slice %arg5[%dma_wait3A_156] : memref<2048xi32, #tpu.memory_space<vmem>> -> memref<128xi32, #tpu.memory_space<vmem>>
    %dma_wait3A_158 = arith.constant 0 : i32
    %dma_wait3A_159 = arith.constant 0 : i32
    %dma_wait3A_160 = tpu.memref_slice %arg2[%dma_wait3A_158, %dma_wait3A_159] : memref<1024x32xf32, #tpu.memory_space<hbm>> -> memref<1024x32xf32, #tpu.memory_space<hbm>>
    tpu.wait_indirect_dma semaphore(%arg7 : memref<!tpu.dma_semaphore, #tpu.memory_space<semaphore_mem>>) src(%dma_wait3A_160 : memref<1024x32xf32, #tpu.memory_space<hbm>>) dst(%dma_wait3A_155 : memref<128x32xf32, #tpu.memory_space<vmem>>)
    %dma_wait3A_161 = arith.constant 512 : i32
    %dma_wait3A_162 = arith.constant 0 : i32
    %dma_wait3A_163 = tpu.memref_slice %arg6[%dma_wait3A_161, %dma_wait3A_162] : memref<2048x32xf32, #tpu.memory_space<vmem>> -> memref<128x32xf32, #tpu.memory_space<vmem>>
    %dma_wait3A_164 = arith.constant 512 : i32
    %dma_wait3A_165 = tpu.memref_slice %arg5[%dma_wait3A_164] : memref<2048xi32, #tpu.memory_space<vmem>> -> memref<128xi32, #tpu.memory_space<vmem>>
    %dma_wait3A_166 = arith.constant 0 : i32
    %dma_wait3A_167 = arith.constant 0 : i32
    %dma_wait3A_168 = tpu.memref_slice %arg2[%dma_wait3A_166, %dma_wait3A_167] : memref<1024x32xf32, #tpu.memory_space<hbm>> -> memref<1024x32xf32, #tpu.memory_space<hbm>>
    tpu.wait_indirect_dma semaphore(%arg7 : memref<!tpu.dma_semaphore, #tpu.memory_space<semaphore_mem>>) src(%dma_wait3A_168 : memref<1024x32xf32, #tpu.memory_space<hbm>>) dst(%dma_wait3A_163 : memref<128x32xf32, #tpu.memory_space<vmem>>)
    %dma_wait3A_169 = arith.constant 640 : i32
    %dma_wait3A_170 = arith.constant 0 : i32
    %dma_wait3A_171 = tpu.memref_slice %arg6[%dma_wait3A_169, %dma_wait3A_170] : memref<2048x32xf32, #tpu.memory_space<vmem>> -> memref<128x32xf32, #tpu.memory_space<vmem>>
    %dma_wait3A_172 = arith.constant 640 : i32
    %dma_wait3A_173 = tpu.memref_slice %arg5[%dma_wait3A_172] : memref<2048xi32, #tpu.memory_space<vmem>> -> memref<128xi32, #tpu.memory_space<vmem>>
    %dma_wait3A_174 = arith.constant 0 : i32
    %dma_wait3A_175 = arith.constant 0 : i32
    %dma_wait3A_176 = tpu.memref_slice %arg2[%dma_wait3A_174, %dma_wait3A_175] : memref<1024x32xf32, #tpu.memory_space<hbm>> -> memref<1024x32xf32, #tpu.memory_space<hbm>>
    tpu.wait_indirect_dma semaphore(%arg7 : memref<!tpu.dma_semaphore, #tpu.memory_space<semaphore_mem>>) src(%dma_wait3A_176 : memref<1024x32xf32, #tpu.memory_space<hbm>>) dst(%dma_wait3A_171 : memref<128x32xf32, #tpu.memory_space<vmem>>)
    %dma_wait3A_177 = arith.constant 768 : i32
    %dma_wait3A_178 = arith.constant 0 : i32
    %dma_wait3A_179 = tpu.memref_slice %arg6[%dma_wait3A_177, %dma_wait3A_178] : memref<2048x32xf32, #tpu.memory_space<vmem>> -> memref<128x32xf32, #tpu.memory_space<vmem>>
    %dma_wait3A_180 = arith.constant 768 : i32
    %dma_wait3A_181 = tpu.memref_slice %arg5[%dma_wait3A_180] : memref<2048xi32, #tpu.memory_space<vmem>> -> memref<128xi32, #tpu.memory_space<vmem>>
    %dma_wait3A_182 = arith.constant 0 : i32
    %dma_wait3A_183 = arith.constant 0 : i32
    %dma_wait3A_184 = tpu.memref_slice %arg2[%dma_wait3A_182, %dma_wait3A_183] : memref<1024x32xf32, #tpu.memory_space<hbm>> -> memref<1024x32xf32, #tpu.memory_space<hbm>>
    tpu.wait_indirect_dma semaphore(%arg7 : memref<!tpu.dma_semaphore, #tpu.memory_space<semaphore_mem>>) src(%dma_wait3A_184 : memref<1024x32xf32, #tpu.memory_space<hbm>>) dst(%dma_wait3A_179 : memref<128x32xf32, #tpu.memory_space<vmem>>)
    %dma_wait3A_185 = arith.constant 896 : i32
    %dma_wait3A_186 = arith.constant 0 : i32
    %dma_wait3A_187 = tpu.memref_slice %arg6[%dma_wait3A_185, %dma_wait3A_186] : memref<2048x32xf32, #tpu.memory_space<vmem>> -> memref<128x32xf32, #tpu.memory_space<vmem>>
    %dma_wait3A_188 = arith.constant 896 : i32
    %dma_wait3A_189 = tpu.memref_slice %arg5[%dma_wait3A_188] : memref<2048xi32, #tpu.memory_space<vmem>> -> memref<128xi32, #tpu.memory_space<vmem>>
    %dma_wait3A_190 = arith.constant 0 : i32
    %dma_wait3A_191 = arith.constant 0 : i32
    %dma_wait3A_192 = tpu.memref_slice %arg2[%dma_wait3A_190, %dma_wait3A_191] : memref<1024x32xf32, #tpu.memory_space<hbm>> -> memref<1024x32xf32, #tpu.memory_space<hbm>>
    tpu.wait_indirect_dma semaphore(%arg7 : memref<!tpu.dma_semaphore, #tpu.memory_space<semaphore_mem>>) src(%dma_wait3A_192 : memref<1024x32xf32, #tpu.memory_space<hbm>>) dst(%dma_wait3A_187 : memref<128x32xf32, #tpu.memory_space<vmem>>)
    %dma_wait3A_193 = arith.constant 1024 : i32
    %dma_wait3A_194 = arith.constant 0 : i32
    %dma_wait3A_195 = tpu.memref_slice %arg6[%dma_wait3A_193, %dma_wait3A_194] : memref<2048x32xf32, #tpu.memory_space<vmem>> -> memref<128x32xf32, #tpu.memory_space<vmem>>
    %dma_wait3A_196 = arith.constant 1024 : i32
    %dma_wait3A_197 = tpu.memref_slice %arg5[%dma_wait3A_196] : memref<2048xi32, #tpu.memory_space<vmem>> -> memref<128xi32, #tpu.memory_space<vmem>>
    %dma_wait3A_198 = arith.constant 0 : i32
    %dma_wait3A_199 = arith.constant 0 : i32
    %dma_wait3A_200 = tpu.memref_slice %arg2[%dma_wait3A_198, %dma_wait3A_199] : memref<1024x32xf32, #tpu.memory_space<hbm>> -> memref<1024x32xf32, #tpu.memory_space<hbm>>
    tpu.wait_indirect_dma semaphore(%arg7 : memref<!tpu.dma_semaphore, #tpu.memory_space<semaphore_mem>>) src(%dma_wait3A_200 : memref<1024x32xf32, #tpu.memory_space<hbm>>) dst(%dma_wait3A_195 : memref<128x32xf32, #tpu.memory_space<vmem>>)
    %dma_wait3A_201 = arith.constant 1152 : i32
    %dma_wait3A_202 = arith.constant 0 : i32
    %dma_wait3A_203 = tpu.memref_slice %arg6[%dma_wait3A_201, %dma_wait3A_202] : memref<2048x32xf32, #tpu.memory_space<vmem>> -> memref<128x32xf32, #tpu.memory_space<vmem>>
    %dma_wait3A_204 = arith.constant 1152 : i32
    %dma_wait3A_205 = tpu.memref_slice %arg5[%dma_wait3A_204] : memref<2048xi32, #tpu.memory_space<vmem>> -> memref<128xi32, #tpu.memory_space<vmem>>
    %dma_wait3A_206 = arith.constant 0 : i32
    %dma_wait3A_207 = arith.constant 0 : i32
    %dma_wait3A_208 = tpu.memref_slice %arg2[%dma_wait3A_206, %dma_wait3A_207] : memref<1024x32xf32, #tpu.memory_space<hbm>> -> memref<1024x32xf32, #tpu.memory_space<hbm>>
    tpu.wait_indirect_dma semaphore(%arg7 : memref<!tpu.dma_semaphore, #tpu.memory_space<semaphore_mem>>) src(%dma_wait3A_208 : memref<1024x32xf32, #tpu.memory_space<hbm>>) dst(%dma_wait3A_203 : memref<128x32xf32, #tpu.memory_space<vmem>>)
    %dma_wait3A_209 = arith.constant 1280 : i32
    %dma_wait3A_210 = arith.constant 0 : i32
    %dma_wait3A_211 = tpu.memref_slice %arg6[%dma_wait3A_209, %dma_wait3A_210] : memref<2048x32xf32, #tpu.memory_space<vmem>> -> memref<128x32xf32, #tpu.memory_space<vmem>>
    %dma_wait3A_212 = arith.constant 1280 : i32
    %dma_wait3A_213 = tpu.memref_slice %arg5[%dma_wait3A_212] : memref<2048xi32, #tpu.memory_space<vmem>> -> memref<128xi32, #tpu.memory_space<vmem>>
    %dma_wait3A_214 = arith.constant 0 : i32
    %dma_wait3A_215 = arith.constant 0 : i32
    %dma_wait3A_216 = tpu.memref_slice %arg2[%dma_wait3A_214, %dma_wait3A_215] : memref<1024x32xf32, #tpu.memory_space<hbm>> -> memref<1024x32xf32, #tpu.memory_space<hbm>>
    tpu.wait_indirect_dma semaphore(%arg7 : memref<!tpu.dma_semaphore, #tpu.memory_space<semaphore_mem>>) src(%dma_wait3A_216 : memref<1024x32xf32, #tpu.memory_space<hbm>>) dst(%dma_wait3A_211 : memref<128x32xf32, #tpu.memory_space<vmem>>)
    %dma_wait3A_217 = arith.constant 1408 : i32
    %dma_wait3A_218 = arith.constant 0 : i32
    %dma_wait3A_219 = tpu.memref_slice %arg6[%dma_wait3A_217, %dma_wait3A_218] : memref<2048x32xf32, #tpu.memory_space<vmem>> -> memref<128x32xf32, #tpu.memory_space<vmem>>
    %dma_wait3A_220 = arith.constant 1408 : i32
    %dma_wait3A_221 = tpu.memref_slice %arg5[%dma_wait3A_220] : memref<2048xi32, #tpu.memory_space<vmem>> -> memref<128xi32, #tpu.memory_space<vmem>>
    %dma_wait3A_222 = arith.constant 0 : i32
    %dma_wait3A_223 = arith.constant 0 : i32
    %dma_wait3A_224 = tpu.memref_slice %arg2[%dma_wait3A_222, %dma_wait3A_223] : memref<1024x32xf32, #tpu.memory_space<hbm>> -> memref<1024x32xf32, #tpu.memory_space<hbm>>
    tpu.wait_indirect_dma semaphore(%arg7 : memref<!tpu.dma_semaphore, #tpu.memory_space<semaphore_mem>>) src(%dma_wait3A_224 : memref<1024x32xf32, #tpu.memory_space<hbm>>) dst(%dma_wait3A_219 : memref<128x32xf32, #tpu.memory_space<vmem>>)
    %dma_wait3A_225 = arith.constant 1536 : i32
    %dma_wait3A_226 = arith.constant 0 : i32
    %dma_wait3A_227 = tpu.memref_slice %arg6[%dma_wait3A_225, %dma_wait3A_226] : memref<2048x32xf32, #tpu.memory_space<vmem>> -> memref<128x32xf32, #tpu.memory_space<vmem>>
    %dma_wait3A_228 = arith.constant 1536 : i32
    %dma_wait3A_229 = tpu.memref_slice %arg5[%dma_wait3A_228] : memref<2048xi32, #tpu.memory_space<vmem>> -> memref<128xi32, #tpu.memory_space<vmem>>
    %dma_wait3A_230 = arith.constant 0 : i32
    %dma_wait3A_231 = arith.constant 0 : i32
    %dma_wait3A_232 = tpu.memref_slice %arg2[%dma_wait3A_230, %dma_wait3A_231] : memref<1024x32xf32, #tpu.memory_space<hbm>> -> memref<1024x32xf32, #tpu.memory_space<hbm>>
    tpu.wait_indirect_dma semaphore(%arg7 : memref<!tpu.dma_semaphore, #tpu.memory_space<semaphore_mem>>) src(%dma_wait3A_232 : memref<1024x32xf32, #tpu.memory_space<hbm>>) dst(%dma_wait3A_227 : memref<128x32xf32, #tpu.memory_space<vmem>>)
    %dma_wait3A_233 = arith.constant 1664 : i32
    %dma_wait3A_234 = arith.constant 0 : i32
    %dma_wait3A_235 = tpu.memref_slice %arg6[%dma_wait3A_233, %dma_wait3A_234] : memref<2048x32xf32, #tpu.memory_space<vmem>> -> memref<128x32xf32, #tpu.memory_space<vmem>>
    %dma_wait3A_236 = arith.constant 1664 : i32
    %dma_wait3A_237 = tpu.memref_slice %arg5[%dma_wait3A_236] : memref<2048xi32, #tpu.memory_space<vmem>> -> memref<128xi32, #tpu.memory_space<vmem>>
    %dma_wait3A_238 = arith.constant 0 : i32
    %dma_wait3A_239 = arith.constant 0 : i32
    %dma_wait3A_240 = tpu.memref_slice %arg2[%dma_wait3A_238, %dma_wait3A_239] : memref<1024x32xf32, #tpu.memory_space<hbm>> -> memref<1024x32xf32, #tpu.memory_space<hbm>>
    tpu.wait_indirect_dma semaphore(%arg7 : memref<!tpu.dma_semaphore, #tpu.memory_space<semaphore_mem>>) src(%dma_wait3A_240 : memref<1024x32xf32, #tpu.memory_space<hbm>>) dst(%dma_wait3A_235 : memref<128x32xf32, #tpu.memory_space<vmem>>)
    %dma_wait3A_241 = arith.constant 1792 : i32
    %dma_wait3A_242 = arith.constant 0 : i32
    %dma_wait3A_243 = tpu.memref_slice %arg6[%dma_wait3A_241, %dma_wait3A_242] : memref<2048x32xf32, #tpu.memory_space<vmem>> -> memref<128x32xf32, #tpu.memory_space<vmem>>
    %dma_wait3A_244 = arith.constant 1792 : i32
    %dma_wait3A_245 = tpu.memref_slice %arg5[%dma_wait3A_244] : memref<2048xi32, #tpu.memory_space<vmem>> -> memref<128xi32, #tpu.memory_space<vmem>>
    %dma_wait3A_246 = arith.constant 0 : i32
    %dma_wait3A_247 = arith.constant 0 : i32
    %dma_wait3A_248 = tpu.memref_slice %arg2[%dma_wait3A_246, %dma_wait3A_247] : memref<1024x32xf32, #tpu.memory_space<hbm>> -> memref<1024x32xf32, #tpu.memory_space<hbm>>
    tpu.wait_indirect_dma semaphore(%arg7 : memref<!tpu.dma_semaphore, #tpu.memory_space<semaphore_mem>>) src(%dma_wait3A_248 : memref<1024x32xf32, #tpu.memory_space<hbm>>) dst(%dma_wait3A_243 : memref<128x32xf32, #tpu.memory_space<vmem>>)
    %dma_wait3A_249 = arith.constant 1920 : i32
    %dma_wait3A_250 = arith.constant 0 : i32
    %dma_wait3A_251 = tpu.memref_slice %arg6[%dma_wait3A_249, %dma_wait3A_250] : memref<2048x32xf32, #tpu.memory_space<vmem>> -> memref<128x32xf32, #tpu.memory_space<vmem>>
    %dma_wait3A_252 = arith.constant 1920 : i32
    %dma_wait3A_253 = tpu.memref_slice %arg5[%dma_wait3A_252] : memref<2048xi32, #tpu.memory_space<vmem>> -> memref<128xi32, #tpu.memory_space<vmem>>
    %dma_wait3A_254 = arith.constant 0 : i32
    %dma_wait3A_255 = arith.constant 0 : i32
    %dma_wait3A_256 = tpu.memref_slice %arg2[%dma_wait3A_254, %dma_wait3A_255] : memref<1024x32xf32, #tpu.memory_space<hbm>> -> memref<1024x32xf32, #tpu.memory_space<hbm>>
    tpu.wait_indirect_dma semaphore(%arg7 : memref<!tpu.dma_semaphore, #tpu.memory_space<semaphore_mem>>) src(%dma_wait3A_256 : memref<1024x32xf32, #tpu.memory_space<hbm>>) dst(%dma_wait3A_251 : memref<128x32xf32, #tpu.memory_space<vmem>>)
    "tpu.region"() ({
      %run_scoped3A = tpu.sem_alloc : memref<!tpu.dma_semaphore, #tpu.memory_space<semaphore_mem>>
      %dma_start3A_257 = arith.constant 0 : i32
      %dma_start3A_258 = tpu.memref_slice %arg4[%mul3A_2, %dma_start3A_257] : memref<65536x32xf32, #tpu.memory_space<hbm>> -> memref<2048x32xf32, #tpu.memory_space<hbm>>
      %dma_start3A_259 = arith.constant 0 : i32
      %dma_start3A_260 = tpu.memref_slice %arg4[%mul3A_2, %dma_start3A_259] : memref<65536x32xf32, #tpu.memory_space<hbm>> -> memref<2048x32xf32, #tpu.memory_space<hbm>>
      tpu.enqueue_dma source(%arg6 : memref<2048x32xf32, #tpu.memory_space<vmem>>) target(%dma_start3A_260 : memref<2048x32xf32, #tpu.memory_space<hbm>>) target_semaphore(%run_scoped3A : memref<!tpu.dma_semaphore, #tpu.memory_space<semaphore_mem>>)
      %dma_wait3A_261 = arith.constant 0 : i32
      %dma_wait3A_262 = tpu.memref_slice %arg4[%mul3A_2, %dma_wait3A_261] : memref<65536x32xf32, #tpu.memory_space<hbm>> -> memref<2048x32xf32, #tpu.memory_space<hbm>>
      %dma_wait3A_263 = arith.constant 0 : i32
      %dma_wait3A_264 = tpu.memref_slice %arg4[%mul3A_2, %dma_wait3A_263] : memref<65536x32xf32, #tpu.memory_space<hbm>> -> memref<2048x32xf32, #tpu.memory_space<hbm>>
      tpu.wait_dma2 semaphore(%run_scoped3A : memref<!tpu.dma_semaphore, #tpu.memory_space<semaphore_mem>>) src(%arg6 : memref<2048x32xf32, #tpu.memory_space<vmem>>) dst(%dma_wait3A_264 : memref<2048x32xf32, #tpu.memory_space<hbm>>)
      tpu.yield
    }) : () -> ()
    return
  }
}

module attributes {stable_mosaic.version = 14 : i64} {
  func.func @_tc_body(%arg0: i32, %arg1: memref<8192x16xf32, #tpu.memory_space<vmem>>, %arg2: memref<16x64xf32, #tpu.memory_space<vmem>>, %arg3: memref<1x64xf32, #tpu.memory_space<vmem>>, %arg4: memref<64x64xf32, #tpu.memory_space<vmem>>, %arg5: memref<1x64xf32, #tpu.memory_space<vmem>>, %arg6: memref<1x64xf32, #tpu.memory_space<vmem>>, %arg7: memref<1x64xf32, #tpu.memory_space<vmem>>, %arg8: memref<64x64xf32, #tpu.memory_space<vmem>>, %arg9: memref<1x64xf32, #tpu.memory_space<vmem>>, %arg10: memref<1x64xf32, #tpu.memory_space<vmem>>, %arg11: memref<1x64xf32, #tpu.memory_space<vmem>>, %arg12: memref<64x32xf32, #tpu.memory_space<vmem>>, %arg13: memref<1x32xf32, #tpu.memory_space<vmem>>, %arg14: memref<1024x32xbf16, #tpu.memory_space<vmem>>, %arg15: memref<1024x1xf32, #tpu.memory_space<vmem>>, %arg16: memref<8192x32xf32, #tpu.memory_space<vmem>>, %arg17: memref<8192xi32, #tpu.memory_space<vmem>>) attributes {dimension_semantics = [#tpu.dimension_semantics<arbitrary>], iteration_bounds = array<i64: 8>, scalar_prefetch = 0 : i64, scratch_operands = 0 : i64, tpu.core_type = #tpu.core_type<tc>, window_params = [{transform_indices = @transform_0, window_bounds = array<i64: 8192, 16>}, {pipeline_mode = #tpu.pipeline_mode<synchronous>, transform_indices = @transform_1, window_bounds = array<i64: 16, 64>}, {pipeline_mode = #tpu.pipeline_mode<synchronous>, transform_indices = @transform_2, window_bounds = array<i64: 1, 64>}, {pipeline_mode = #tpu.pipeline_mode<synchronous>, transform_indices = @transform_3, window_bounds = array<i64: 64, 64>}, {pipeline_mode = #tpu.pipeline_mode<synchronous>, transform_indices = @transform_4, window_bounds = array<i64: 1, 64>}, {pipeline_mode = #tpu.pipeline_mode<synchronous>, transform_indices = @transform_5, window_bounds = array<i64: 1, 64>}, {pipeline_mode = #tpu.pipeline_mode<synchronous>, transform_indices = @transform_6, window_bounds = array<i64: 1, 64>}, {pipeline_mode = #tpu.pipeline_mode<synchronous>, transform_indices = @transform_7, window_bounds = array<i64: 64, 64>}, {pipeline_mode = #tpu.pipeline_mode<synchronous>, transform_indices = @transform_8, window_bounds = array<i64: 1, 64>}, {pipeline_mode = #tpu.pipeline_mode<synchronous>, transform_indices = @transform_9, window_bounds = array<i64: 1, 64>}, {pipeline_mode = #tpu.pipeline_mode<synchronous>, transform_indices = @transform_10, window_bounds = array<i64: 1, 64>}, {pipeline_mode = #tpu.pipeline_mode<synchronous>, transform_indices = @transform_11, window_bounds = array<i64: 64, 32>}, {pipeline_mode = #tpu.pipeline_mode<synchronous>, transform_indices = @transform_12, window_bounds = array<i64: 1, 32>}, {pipeline_mode = #tpu.pipeline_mode<synchronous>, transform_indices = @transform_13, window_bounds = array<i64: 1024, 32>}, {pipeline_mode = #tpu.pipeline_mode<synchronous>, transform_indices = @transform_14, window_bounds = array<i64: 1024, 1>}, {transform_indices = @transform_15, window_bounds = array<i64: 8192, 32>}, {transform_indices = @transform_16, window_bounds = array<i64: 8192>}]} {
    %get3A = arith.constant 0 : index
    %get3A_0 = arith.constant 0 : index
    %get3A_1 = vector.load %arg1[%get3A, %get3A_0] : memref<8192x16xf32, #tpu.memory_space<vmem>>, vector<8192x16xf32>
    %get3A_2 = arith.constant 0 : index
    %get3A_3 = arith.constant 0 : index
    %get3A_4 = vector.load %arg2[%get3A_2, %get3A_3] : memref<16x64xf32, #tpu.memory_space<vmem>>, vector<16x64xf32>
    %convert_element_type3A = arith.truncf %get3A_1 : vector<8192x16xf32> to vector<8192x16xbf16>
    %convert_element_type3A_5 = arith.truncf %get3A_4 : vector<16x64xf32> to vector<16x64xbf16>
    %dot_general3A = arith.constant dense<0.000000e+00> : vector<8192x64xf32>
    %dot_general3A_6 = tpu.matmul %convert_element_type3A, %convert_element_type3A_5, %dot_general3A {dimension_numbers = #tpu.dot_dimension_numbers<[1], [0], [0], [1], [0, 0, 1, 1], [], []>, transpose_lhs_hint = false} : vector<8192x16xbf16>, vector<16x64xbf16>, vector<8192x64xf32> -> vector<8192x64xf32>
    %get3A_7 = arith.constant 0 : index
    %get3A_8 = arith.constant 0 : index
    %get3A_9 = vector.load %arg3[%get3A_7, %get3A_8] : memref<1x64xf32, #tpu.memory_space<vmem>>, vector<1x64xf32>
    %add3A = vector.broadcast %get3A_9 : vector<1x64xf32> to vector<8192x64xf32>
    %add3A_10 = arith.addf %dot_general3A_6, %add3A : vector<8192x64xf32>
    %get3A_11 = arith.constant 0 : index
    %get3A_12 = arith.constant 0 : index
    %get3A_13 = vector.load %arg4[%get3A_11, %get3A_12] : memref<64x64xf32, #tpu.memory_space<vmem>>, vector<64x64xf32>
    %convert_element_type3A_14 = arith.truncf %add3A_10 : vector<8192x64xf32> to vector<8192x64xbf16>
    %convert_element_type3A_15 = arith.truncf %get3A_13 : vector<64x64xf32> to vector<64x64xbf16>
    %dot_general3A_16 = arith.constant dense<0.000000e+00> : vector<8192x64xf32>
    %dot_general3A_17 = tpu.matmul %convert_element_type3A_14, %convert_element_type3A_15, %dot_general3A_16 {dimension_numbers = #tpu.dot_dimension_numbers<[1], [0], [0], [1], [0, 0, 1, 1], [], []>, transpose_lhs_hint = false} : vector<8192x64xbf16>, vector<64x64xbf16>, vector<8192x64xf32> -> vector<8192x64xf32>
    %get3A_18 = arith.constant 0 : index
    %get3A_19 = arith.constant 0 : index
    %get3A_20 = vector.load %arg5[%get3A_18, %get3A_19] : memref<1x64xf32, #tpu.memory_space<vmem>>, vector<1x64xf32>
    %add3A_21 = vector.broadcast %get3A_20 : vector<1x64xf32> to vector<8192x64xf32>
    %add3A_22 = arith.addf %dot_general3A_17, %add3A_21 : vector<8192x64xf32>
    %reduce_sum3A = arith.constant dense<0.000000e+00> : vector<8192xf32>
    %reduce_sum3A_23 = vector.multi_reduction <add>, %add3A_22, %reduce_sum3A [1] : vector<8192x64xf32> to vector<8192xf32>
    %broadcast_in_dim3A = vector.shape_cast %reduce_sum3A_23 : vector<8192xf32> to vector<8192x1xf32>
    %div3A = arith.constant 6.400000e+01 : f32
    %div3A_24 = vector.broadcast %div3A : f32 to vector<8192x1xf32>
    %div3A_25 = arith.divf %broadcast_in_dim3A, %div3A_24 : vector<8192x1xf32>
    %sub3A = vector.broadcast %div3A_25 : vector<8192x1xf32> to vector<8192x64xf32>
    %sub3A_26 = arith.subf %add3A_22, %sub3A : vector<8192x64xf32>
    %sub3A_27 = vector.broadcast %div3A_25 : vector<8192x1xf32> to vector<8192x64xf32>
    %sub3A_28 = arith.subf %add3A_22, %sub3A_27 : vector<8192x64xf32>
    %mul3A = arith.mulf %sub3A_26, %sub3A_28 : vector<8192x64xf32>
    %reduce_sum3A_29 = arith.constant dense<0.000000e+00> : vector<8192xf32>
    %reduce_sum3A_30 = vector.multi_reduction <add>, %mul3A, %reduce_sum3A_29 [1] : vector<8192x64xf32> to vector<8192xf32>
    %broadcast_in_dim3A_31 = vector.shape_cast %reduce_sum3A_30 : vector<8192xf32> to vector<8192x1xf32>
    %div3A_32 = arith.constant 6.400000e+01 : f32
    %div3A_33 = vector.broadcast %div3A_32 : f32 to vector<8192x1xf32>
    %div3A_34 = arith.divf %broadcast_in_dim3A_31, %div3A_33 : vector<8192x1xf32>
    %sub3A_35 = vector.broadcast %div3A_25 : vector<8192x1xf32> to vector<8192x64xf32>
    %sub3A_36 = arith.subf %add3A_22, %sub3A_35 : vector<8192x64xf32>
    %add3A_37 = arith.constant 9.99999974E-6 : f32
    %add3A_38 = vector.broadcast %add3A_37 : f32 to vector<8192x1xf32>
    %add3A_39 = arith.addf %div3A_34, %add3A_38 : vector<8192x1xf32>
    %sqrt3A = math.sqrt %add3A_39 : vector<8192x1xf32>
    %div3A_40 = vector.broadcast %sqrt3A : vector<8192x1xf32> to vector<8192x64xf32>
    %div3A_41 = arith.divf %sub3A_36, %div3A_40 : vector<8192x64xf32>
    %get3A_42 = arith.constant 0 : index
    %get3A_43 = arith.constant 0 : index
    %get3A_44 = vector.load %arg6[%get3A_42, %get3A_43] : memref<1x64xf32, #tpu.memory_space<vmem>>, vector<1x64xf32>
    %mul3A_45 = vector.broadcast %get3A_44 : vector<1x64xf32> to vector<8192x64xf32>
    %mul3A_46 = arith.mulf %div3A_41, %mul3A_45 : vector<8192x64xf32>
    %get3A_47 = arith.constant 0 : index
    %get3A_48 = arith.constant 0 : index
    %get3A_49 = vector.load %arg7[%get3A_47, %get3A_48] : memref<1x64xf32, #tpu.memory_space<vmem>>, vector<1x64xf32>
    %add3A_50 = vector.broadcast %get3A_49 : vector<1x64xf32> to vector<8192x64xf32>
    %add3A_51 = arith.addf %mul3A_46, %add3A_50 : vector<8192x64xf32>
    %max3A = arith.constant 0.000000e+00 : f32
    %max3A_52 = vector.broadcast %max3A : f32 to vector<8192x64xf32>
    %max3A_53 = arith.maximumf %add3A_51, %max3A_52 : vector<8192x64xf32>
    %add3A_54 = arith.addf %max3A_53, %add3A_10 : vector<8192x64xf32>
    %get3A_55 = arith.constant 0 : index
    %get3A_56 = arith.constant 0 : index
    %get3A_57 = vector.load %arg8[%get3A_55, %get3A_56] : memref<64x64xf32, #tpu.memory_space<vmem>>, vector<64x64xf32>
    %convert_element_type3A_58 = arith.truncf %add3A_54 : vector<8192x64xf32> to vector<8192x64xbf16>
    %convert_element_type3A_59 = arith.truncf %get3A_57 : vector<64x64xf32> to vector<64x64xbf16>
    %dot_general3A_60 = arith.constant dense<0.000000e+00> : vector<8192x64xf32>
    %dot_general3A_61 = tpu.matmul %convert_element_type3A_58, %convert_element_type3A_59, %dot_general3A_60 {dimension_numbers = #tpu.dot_dimension_numbers<[1], [0], [0], [1], [0, 0, 1, 1], [], []>, transpose_lhs_hint = false} : vector<8192x64xbf16>, vector<64x64xbf16>, vector<8192x64xf32> -> vector<8192x64xf32>
    %get3A_62 = arith.constant 0 : index
    %get3A_63 = arith.constant 0 : index
    %get3A_64 = vector.load %arg9[%get3A_62, %get3A_63] : memref<1x64xf32, #tpu.memory_space<vmem>>, vector<1x64xf32>
    %add3A_65 = vector.broadcast %get3A_64 : vector<1x64xf32> to vector<8192x64xf32>
    %add3A_66 = arith.addf %dot_general3A_61, %add3A_65 : vector<8192x64xf32>
    %reduce_sum3A_67 = arith.constant dense<0.000000e+00> : vector<8192xf32>
    %reduce_sum3A_68 = vector.multi_reduction <add>, %add3A_66, %reduce_sum3A_67 [1] : vector<8192x64xf32> to vector<8192xf32>
    %broadcast_in_dim3A_69 = vector.shape_cast %reduce_sum3A_68 : vector<8192xf32> to vector<8192x1xf32>
    %div3A_70 = arith.constant 6.400000e+01 : f32
    %div3A_71 = vector.broadcast %div3A_70 : f32 to vector<8192x1xf32>
    %div3A_72 = arith.divf %broadcast_in_dim3A_69, %div3A_71 : vector<8192x1xf32>
    %sub3A_73 = vector.broadcast %div3A_72 : vector<8192x1xf32> to vector<8192x64xf32>
    %sub3A_74 = arith.subf %add3A_66, %sub3A_73 : vector<8192x64xf32>
    %sub3A_75 = vector.broadcast %div3A_72 : vector<8192x1xf32> to vector<8192x64xf32>
    %sub3A_76 = arith.subf %add3A_66, %sub3A_75 : vector<8192x64xf32>
    %mul3A_77 = arith.mulf %sub3A_74, %sub3A_76 : vector<8192x64xf32>
    %reduce_sum3A_78 = arith.constant dense<0.000000e+00> : vector<8192xf32>
    %reduce_sum3A_79 = vector.multi_reduction <add>, %mul3A_77, %reduce_sum3A_78 [1] : vector<8192x64xf32> to vector<8192xf32>
    %broadcast_in_dim3A_80 = vector.shape_cast %reduce_sum3A_79 : vector<8192xf32> to vector<8192x1xf32>
    %div3A_81 = arith.constant 6.400000e+01 : f32
    %div3A_82 = vector.broadcast %div3A_81 : f32 to vector<8192x1xf32>
    %div3A_83 = arith.divf %broadcast_in_dim3A_80, %div3A_82 : vector<8192x1xf32>
    %sub3A_84 = vector.broadcast %div3A_72 : vector<8192x1xf32> to vector<8192x64xf32>
    %sub3A_85 = arith.subf %add3A_66, %sub3A_84 : vector<8192x64xf32>
    %add3A_86 = arith.constant 9.99999974E-6 : f32
    %add3A_87 = vector.broadcast %add3A_86 : f32 to vector<8192x1xf32>
    %add3A_88 = arith.addf %div3A_83, %add3A_87 : vector<8192x1xf32>
    %sqrt3A_89 = math.sqrt %add3A_88 : vector<8192x1xf32>
    %div3A_90 = vector.broadcast %sqrt3A_89 : vector<8192x1xf32> to vector<8192x64xf32>
    %div3A_91 = arith.divf %sub3A_85, %div3A_90 : vector<8192x64xf32>
    %get3A_92 = arith.constant 0 : index
    %get3A_93 = arith.constant 0 : index
    %get3A_94 = vector.load %arg10[%get3A_92, %get3A_93] : memref<1x64xf32, #tpu.memory_space<vmem>>, vector<1x64xf32>
    %mul3A_95 = vector.broadcast %get3A_94 : vector<1x64xf32> to vector<8192x64xf32>
    %mul3A_96 = arith.mulf %div3A_91, %mul3A_95 : vector<8192x64xf32>
    %get3A_97 = arith.constant 0 : index
    %get3A_98 = arith.constant 0 : index
    %get3A_99 = vector.load %arg11[%get3A_97, %get3A_98] : memref<1x64xf32, #tpu.memory_space<vmem>>, vector<1x64xf32>
    %add3A_100 = vector.broadcast %get3A_99 : vector<1x64xf32> to vector<8192x64xf32>
    %add3A_101 = arith.addf %mul3A_96, %add3A_100 : vector<8192x64xf32>
    %max3A_102 = arith.constant 0.000000e+00 : f32
    %max3A_103 = vector.broadcast %max3A_102 : f32 to vector<8192x64xf32>
    %max3A_104 = arith.maximumf %add3A_101, %max3A_103 : vector<8192x64xf32>
    %add3A_105 = arith.addf %max3A_104, %add3A_54 : vector<8192x64xf32>
    %get3A_106 = arith.constant 0 : index
    %get3A_107 = arith.constant 0 : index
    %get3A_108 = vector.load %arg12[%get3A_106, %get3A_107] : memref<64x32xf32, #tpu.memory_space<vmem>>, vector<64x32xf32>
    %convert_element_type3A_109 = arith.truncf %add3A_105 : vector<8192x64xf32> to vector<8192x64xbf16>
    %convert_element_type3A_110 = arith.truncf %get3A_108 : vector<64x32xf32> to vector<64x32xbf16>
    %dot_general3A_111 = arith.constant dense<0.000000e+00> : vector<8192x32xf32>
    %dot_general3A_112 = tpu.matmul %convert_element_type3A_109, %convert_element_type3A_110, %dot_general3A_111 {dimension_numbers = #tpu.dot_dimension_numbers<[1], [0], [0], [1], [0, 0, 1, 1], [], []>, transpose_lhs_hint = false} : vector<8192x64xbf16>, vector<64x32xbf16>, vector<8192x32xf32> -> vector<8192x32xf32>
    %get3A_113 = arith.constant 0 : index
    %get3A_114 = arith.constant 0 : index
    %get3A_115 = vector.load %arg13[%get3A_113, %get3A_114] : memref<1x32xf32, #tpu.memory_space<vmem>>, vector<1x32xf32>
    %add3A_116 = vector.broadcast %get3A_115 : vector<1x32xf32> to vector<8192x32xf32>
    %add3A_117 = arith.addf %dot_general3A_112, %add3A_116 : vector<8192x32xf32>
    %swap3A = arith.constant 0 : index
    %swap3A_118 = arith.constant 0 : index
    %swap3A_119 = vector.load %arg16[%swap3A, %swap3A_118] : memref<8192x32xf32, #tpu.memory_space<vmem>>, vector<8192x32xf32>
    tpu.vector_store %arg16[%swap3A, %swap3A_118], %add3A_117 {strides = array<i32>} : memref<8192x32xf32, #tpu.memory_space<vmem>>, vector<8192x32xf32>,
    %convert_element_type3A_120 = arith.truncf %add3A_117 : vector<8192x32xf32> to vector<8192x32xbf16>
    %broadcast_in_dim3A_121 = arith.constant 3.000000e+38 : f32
    %broadcast_in_dim3A_122 = vector.broadcast %broadcast_in_dim3A_121 : f32 to vector<8192xf32>
    %broadcast_in_dim3A_123 = arith.constant 0 : i32
    %broadcast_in_dim3A_124 = vector.broadcast %broadcast_in_dim3A_123 : i32 to vector<8192xi32>
    %broadcast_in_dim3A_125 = arith.constant 0 : i32
    %broadcast_in_dim3A_126 = vector.broadcast %broadcast_in_dim3A_125 : i32 to vector<8192xi32>
    %get3A_127 = arith.constant 0 : index
    %get3A_128 = arith.constant 0 : index
    %get3A_129 = vector.load %arg14[%get3A_127, %get3A_128] : memref<1024x32xbf16, #tpu.memory_space<vmem>>, vector<1024x32xbf16>
    %dot_general3A_130 = arith.constant dense<0.000000e+00> : vector<1024x8192xf32>
    %dot_general3A_131 = tpu.matmul %get3A_129, %convert_element_type3A_120, %dot_general3A_130 {dimension_numbers = #tpu.dot_dimension_numbers<[1], [1], [0], [0], [0, 0, 1, 0], [], []>, transpose_lhs_hint = false} : vector<1024x32xbf16>, vector<8192x32xbf16>, vector<1024x8192xf32> -> vector<1024x8192xf32>
    %get3A_132 = arith.constant 0 : index
    %get3A_133 = arith.constant 0 : index
    %get3A_134 = vector.load %arg15[%get3A_132, %get3A_133] : memref<1024x1xf32, #tpu.memory_space<vmem>>, vector<1024x1xf32>
    %add3A_135 = vector.broadcast %get3A_134 : vector<1024x1xf32> to vector<1024x8192xf32>
    %add3A_136 = arith.addf %dot_general3A_131, %add3A_135 : vector<1024x8192xf32>
    %reduce_min3A = arith.constant dense<0x7F800000> : vector<8192xf32>
    %reduce_min3A_137 = vector.multi_reduction <minimumf>, %add3A_136, %reduce_min3A [0] : vector<1024x8192xf32> to vector<8192xf32>
    %argmin3A = tpu.reduce_index %add3A_136 {axis = 0 : i32, kind = #tpu.reduction_kind<arg_min>} : vector<1024x8192xf32> -> vector<8192xi32>
    %lt3A = arith.cmpf olt, %reduce_min3A_137, %broadcast_in_dim3A_122 : vector<8192xf32>
    %select_n3A = arith.select %lt3A, %argmin3A, %broadcast_in_dim3A_124 : vector<8192xi1>, vector<8192xi32>
    %jit3A = arith.constant 0 : i32
    %broadcast_in_dim3A_138 = vector.broadcast %jit3A : i32 to vector<8192xi32>
    %select_n3A_139 = arith.select %lt3A, %broadcast_in_dim3A_138, %broadcast_in_dim3A_126 : vector<8192xi1>, vector<8192xi32>
    %mul3A_140 = arith.constant 1024 : i32
    %mul3A_141 = vector.broadcast %mul3A_140 : i32 to vector<8192xi32>
    %mul3A_142 = arith.muli %select_n3A_139, %mul3A_141 : vector<8192xi32>
    %add3A_143 = arith.addi %mul3A_142, %select_n3A : vector<8192xi32>
    %swap3A_144 = arith.constant 0 : index
    %swap3A_145 = vector.load %arg17[%swap3A_144] : memref<8192xi32, #tpu.memory_space<vmem>>, vector<8192xi32>
    tpu.vector_store %arg17[%swap3A_144], %add3A_143 {strides = array<i32>} : memref<8192xi32, #tpu.memory_space<vmem>>, vector<8192xi32>,
    return
  }
  func.func @transform_0(%arg0: i32) -> (i32, i32) {
    %c0_i32 = arith.constant 0 : i32
    %c0_i32_0 = arith.constant 0 : i32
    return %arg0, %c0_i32 : i32, i32
  }
  func.func @transform_1(%arg0: i32) -> (i32, i32) {
    %c0_i32 = arith.constant 0 : i32
    %c0_i32_0 = arith.constant 0 : i32
    %c0_i32_1 = arith.constant 0 : i32
    return %c0_i32, %c0_i32_0 : i32, i32
  }
  func.func @transform_2(%arg0: i32) -> (i32, i32) {
    %c0_i32 = arith.constant 0 : i32
    %c0_i32_0 = arith.constant 0 : i32
    %c0_i32_1 = arith.constant 0 : i32
    return %c0_i32, %c0_i32_0 : i32, i32
  }
  func.func @transform_3(%arg0: i32) -> (i32, i32) {
    %c0_i32 = arith.constant 0 : i32
    %c0_i32_0 = arith.constant 0 : i32
    %c0_i32_1 = arith.constant 0 : i32
    return %c0_i32, %c0_i32_0 : i32, i32
  }
  func.func @transform_4(%arg0: i32) -> (i32, i32) {
    %c0_i32 = arith.constant 0 : i32
    %c0_i32_0 = arith.constant 0 : i32
    %c0_i32_1 = arith.constant 0 : i32
    return %c0_i32, %c0_i32_0 : i32, i32
  }
  func.func @transform_5(%arg0: i32) -> (i32, i32) {
    %c0_i32 = arith.constant 0 : i32
    %c0_i32_0 = arith.constant 0 : i32
    %c0_i32_1 = arith.constant 0 : i32
    return %c0_i32, %c0_i32_0 : i32, i32
  }
  func.func @transform_6(%arg0: i32) -> (i32, i32) {
    %c0_i32 = arith.constant 0 : i32
    %c0_i32_0 = arith.constant 0 : i32
    %c0_i32_1 = arith.constant 0 : i32
    return %c0_i32, %c0_i32_0 : i32, i32
  }
  func.func @transform_7(%arg0: i32) -> (i32, i32) {
    %c0_i32 = arith.constant 0 : i32
    %c0_i32_0 = arith.constant 0 : i32
    %c0_i32_1 = arith.constant 0 : i32
    return %c0_i32, %c0_i32_0 : i32, i32
  }
  func.func @transform_8(%arg0: i32) -> (i32, i32) {
    %c0_i32 = arith.constant 0 : i32
    %c0_i32_0 = arith.constant 0 : i32
    %c0_i32_1 = arith.constant 0 : i32
    return %c0_i32, %c0_i32_0 : i32, i32
  }
  func.func @transform_9(%arg0: i32) -> (i32, i32) {
    %c0_i32 = arith.constant 0 : i32
    %c0_i32_0 = arith.constant 0 : i32
    %c0_i32_1 = arith.constant 0 : i32
    return %c0_i32, %c0_i32_0 : i32, i32
  }
  func.func @transform_10(%arg0: i32) -> (i32, i32) {
    %c0_i32 = arith.constant 0 : i32
    %c0_i32_0 = arith.constant 0 : i32
    %c0_i32_1 = arith.constant 0 : i32
    return %c0_i32, %c0_i32_0 : i32, i32
  }
  func.func @transform_11(%arg0: i32) -> (i32, i32) {
    %c0_i32 = arith.constant 0 : i32
    %c0_i32_0 = arith.constant 0 : i32
    %c0_i32_1 = arith.constant 0 : i32
    return %c0_i32, %c0_i32_0 : i32, i32
  }
  func.func @transform_12(%arg0: i32) -> (i32, i32) {
    %c0_i32 = arith.constant 0 : i32
    %c0_i32_0 = arith.constant 0 : i32
    %c0_i32_1 = arith.constant 0 : i32
    return %c0_i32, %c0_i32_0 : i32, i32
  }
  func.func @transform_13(%arg0: i32) -> (i32, i32) {
    %c0_i32 = arith.constant 0 : i32
    %c0_i32_0 = arith.constant 0 : i32
    %c0_i32_1 = arith.constant 0 : i32
    return %c0_i32, %c0_i32_0 : i32, i32
  }
  func.func @transform_14(%arg0: i32) -> (i32, i32) {
    %c0_i32 = arith.constant 0 : i32
    %c0_i32_0 = arith.constant 0 : i32
    %c0_i32_1 = arith.constant 0 : i32
    return %c0_i32, %c0_i32_0 : i32, i32
  }
  func.func @transform_15(%arg0: i32) -> (i32, i32) {
    %c0_i32 = arith.constant 0 : i32
    %c0_i32_0 = arith.constant 0 : i32
    return %arg0, %c0_i32 : i32, i32
  }
  func.func @transform_16(%arg0: i32) -> i32 {
    %c0_i32 = arith.constant 0 : i32
    return %arg0 : i32
  }
}

</mosaic_0001>

<sc_bundles>
// kernel: kernel.4.cloned.1.call-start
scs
__scs_entry_jumppad:
0x0: {  	(pc) =	sbr.rel $0x88, $3  }
0x1: {  	(tag) =	ssettag $0x0;
	lr =	simm.s32 $0x1  }
0x2: {  	[smem:$0x3F93] =	sst lr;
	_ =	strace $0xD0000000  }
0x3: {  	_ = 	snop  }
0x4: {  	_ = 	snop  }
0x5: {  	_ = 	snop  }
0x6: {  	_ = 	snop  }
0x7: {  	_ = 	snop  }
__scs_overlays_trampoline_lowered:
0x8: {  	[smem:$0x3FA2] =	sst s0  }
0x9: {  	[smem:$0x3FA3] =	sst s1  }
0xa: {  	[smem:$0x3FA4] =	sst s2  }
0xb: {  	[smem:$0x3FA5] =	sst s3  }
0xc: {  	[smem:$0x3FA6] =	sst s4  }
0xd: {  	[smem:$0x3FA7] =	sst s5  }
0xe: {  	[smem:$0x3FA8] =	sst s6  }
0xf: {  	[smem:$0x3FA9] =	sst s7  }
0x10: {  	[smem:$0x3FAA] =	sst s8  }
0x11: {  	[smem:$0x3FAB] =	sst s9;
	s0 =	simm.s32 @!p0 $0x0  }
0x12: {  	s1 =	sld [smem:$0x3F91];
	s0 =	simm.s32 @p0 $0x1  }
0x13: {  	[smem:$0x3FAC] =	sst s0;
	s0 =	simm.s32 @!p1 $0x0  }
0x14: {  	s2 =	sld [smem:$0x3F90];
	s0 =	simm.s32 @p1 $0x1  }
0x15: {  	[smem:$0x3FAD] =	sst s0;
	s0 =	simm.s32 @!p2 $0x0  }
0x16: {  	s3 =	sld [smem:$0x3FDB];
	s0 =	simm.s32 @p2 $0x1  }
0x17: {  	s4 =	simm.s32 $0x1BF5;
	[smem:$0x3FAF] =	sst s0  }
0x18: {  	s0 =	sld [smem:$0x3F92];
	_ =	swait.ge [sflag:s4], $0x0  }
0x19: {  	s7 =	sld [smem:$0x3F93]  }
0x1a: {  	s8 =	sadd.s32 $0xFFFFE003, lr  }
0x1b: {  	s9 =	sadd.s32 $0xFFFFFEF7, lr;
	s5 =	simm.s32 $0xFFFFFFFF;
	p2 =	slt.u32 s8, $0xFFFFF086  }
0x1c: {  	p1 =	slt.u32 s9, $0xF7A;
	s5 =	simm.s32 @!p2 $0x0  }
0x1d: {  	s5 =	simm.s32 @p1 $0x1;
	p0 =	seq.s32 s7, s2  }
0x1e: {  	s7 =	smul.u32 @!p0 $0xF7A, s2;
	p2 =	seq.s32 @!p0 s5, $0x0  }
0x1f: {  	s9 =	smul.u32 $0xF7A, s1;
	s8 =	simm.s32 @!p0 $0x1BF5;
	p2 =	por !p2, p0  }
0x20: {  	[sflag:s8] =	ssyncset.s32 @!p0 $0xFFFFF086;
	s6 =	sadd.s32 @!p0 s3, s7;
	s7 =	simm.s32 @!p0 $0x108  }
0x21: {  	s3 =	sadd.s32 s3, s9;
	s6 =	sadd.s32 @!p0 $0x88, s6;
	s7 =	simm.s32 @p2 $0x1082  }
0x22: {  	[simem:s7], [sflag:s8] =	dma.local @!p0 [hbm:s6], $0xF7A  }
0x23: {  	s9 =	sor.u32 $0xD0000000, s2;
	s6 =	simm.s32 $0x108;
	_ =	swait.ge @!p0 [sflag:s8], $0x0  }
0x24: {  	s3 =	sadd.s32 $0x88, s3;
	s6 =	simm.s32 @!p1 $0x1082;
	[sflag:s4] =	ssyncset.s32 $0xFFFFF086  }
0x25: {  	[simem:s6], [sflag:s4] =	dma.local [hbm:s3], $0xF7A  }
0x26: {  	[smem:$0x3F93] =	sst s1;
	(tag) =	ssettag s2;
	_ =	strace s9  }
0x27: {  	s1 =	sld [smem:$0x3FA3]  }
0x28: {  	s2 =	sld [smem:$0x3FA4]  }
0x29: {  	s4 =	sld [smem:$0x3FA6]  }
0x2a: {  	p0 =	seq.s32 s5, $0x0;
	s5 =	sld [smem:$0x3FA7]  }
0x2b: {  	s6 =	sld [smem:$0x3FA8]  }
0x2c: {  	s7 =	sld [smem:$0x3FA9]  }
0x2d: {  	s3 =	simm.s32 $0x108;
	s8 =	sld [smem:$0x3FAA]  }
0x2e: {  	s3 =	simm.s32 @!p0 $0x1082;
	s9 =	sld [smem:$0x3FAB]  }
0x2f: {  	lr =	sadd.s32 s0, s3;
	s0 =	sld [smem:$0x3FA2]  }
0x30: {  	s3 =	sld [smem:$0x3FA5]  }
0x31: {  	[smem:$0x3FAE] =	sst s10  }
0x32: {  	s10 =	sld [smem:$0x3FAC];
	_ =	sdelay $0x3  }
0x33: {  	p0 =	seq.s32 s10, $0x1;
	s10 =	sld [smem:$0x3FAE];
	_ =	sdelay $0x3  }
0x34: {  	[smem:$0x3FAE] =	sst s10  }
0x35: {  	s10 =	sld [smem:$0x3FAD];
	_ =	sdelay $0x3  }
0x36: {  	p1 =	seq.s32 s10, $0x1;
	s10 =	sld [smem:$0x3FAE];
	_ =	sdelay $0x3  }
0x37: {  	[smem:$0x3FAE] =	sst s10  }
0x38: {  	s10 =	sld [smem:$0x3FAF]  }
0x39: {  	_ = 	snop;
	(pc) =	sbr.ind lr, $3  }
0x3a: {  	_ = 	snop  }
0x3b: {  	_ = 	snop  }
0x3c: {  	p2 =	seq.s32 s10, $0x1;
	s10 =	sld [smem:$0x3FAE]  }
0x3d: {  	_ =	shalt  }
0x3e: {  	_ =	shalt  }
0x3f: {  	_ =	shalt  }
0x40: {  	_ =	shalt  }
0x41: {  	_ =	shalt  }
0x42: {  	_ =	shalt  }
0x43: {  	_ =	shalt  }
0x44: {  	_ =	shalt  }
0x45: {  	_ =	shalt  }
0x46: {  	_ =	shalt  }
0x47: {  	_ =	shalt  }
0x48: {  	_ =	shalt  }
0x49: {  	_ =	shalt  }
0x4a: {  	_ =	shalt  }
0x4b: {  	_ =	shalt  }
0x4c: {  	_ =	shalt  }
0x4d: {  	_ =	shalt  }
0x4e: {  	_ =	shalt  }
0x4f: {  	_ =	shalt  }
0x50: {  	_ =	shalt  }
0x51: {  	_ =	shalt  }
0x52: {  	_ =	shalt  }
0x53: {  	_ =	shalt  }
0x54: {  	_ =	shalt  }
0x55: {  	_ =	shalt  }
0x56: {  	_ =	shalt  }
0x57: {  	_ =	shalt  }
0x58: {  	_ =	shalt  }
0x59: {  	_ =	shalt  }
0x5a: {  	_ =	shalt  }
0x5b: {  	_ =	shalt  }
0x5c: {  	_ =	shalt  }
0x5d: {  	_ =	shalt  }
0x5e: {  	_ =	shalt  }
0x5f: {  	_ =	shalt  }
0x60: {  	_ =	shalt  }
0x61: {  	_ =	shalt  }
0x62: {  	_ =	shalt  }
0x63: {  	_ =	shalt  }
0x64: {  	_ =	shalt  }
0x65: {  	_ =	shalt  }
0x66: {  	_ =	shalt  }
0x67: {  	_ =	shalt  }
0x68: {  	_ =	shalt  }
0x69: {  	_ =	shalt  }
0x6a: {  	_ =	shalt  }
0x6b: {  	_ =	shalt  }
0x6c: {  	_ =	shalt  }
0x6d: {  	_ =	shalt  }
0x6e: {  	_ =	shalt  }
0x6f: {  	_ =	shalt  }
0x70: {  	_ =	shalt  }
0x71: {  	_ =	shalt  }
0x72: {  	_ =	shalt  }
0x73: {  	_ =	shalt  }
0x74: {  	_ =	shalt  }
0x75: {  	_ =	shalt  }
0x76: {  	_ =	shalt  }
0x77: {  	_ =	shalt  }
0x78: {  	_ =	shalt  }
0x79: {  	_ =	shalt  }
0x7a: {  	_ =	shalt  }
0x7b: {  	_ =	shalt  }
0x7c: {  	_ =	shalt  }
0x7d: {  	_ =	shalt  }
0x7e: {  	_ =	shalt  }
0x7f: {  	_ =	shalt  }
0x80: {  	_ =	shalt  }
0x81: {  	_ =	shalt  }
0x82: {  	_ =	shalt  }
0x83: {  	_ =	shalt  }
0x84: {  	_ =	shalt  }
0x85: {  	_ =	shalt  }
0x86: {  	_ =	shalt  }
0x87: {  	_ =	shalt  }
.Lfunc_end0:
.L_simem_size_0:
called_computation_lowered:
.L_overlay_start_0:
0x88: {  	s2 =	sld [smem:$0x3FD9]  }
0x89: {  	s3 =	sld [smem:$0x3FFE];
	_ =	sdelay $0x1  }
0x8a: {  	s1 =	srdreg.scid  }
0x8b: {  	s0 =	sand.u32 $0x1, s1  }
0x8c: {  	s14 =	sshll.u32 s0, $0xA;
	s2 =	sadd.s32 s3, s2  }
0x8d: {  	s2 =	sadd.s32 s2, s14  }
0x8e: {  	[smem:$0x3FBA] =	sst s2  }
0x8f: {  	_ = 	snop  }
0x90: {  	s2 =	sld [smem:$0x3FD0];
	_ =	sdelay $0x2  }
0x91: {  	s15 =	simm.s32 $0xA;
	s4 =	simm.s32 $0x10  }
0x92: {  	[smem:s4], [sflag:s15] =	dma.local [hbm:s2], $0x1  }
0x93: {  	_ =	swait.eq [sflag:s15], $0x1  }
0x94: {  	[sflag:s15] =	ssyncset.done $0x0  }
0x95: {  	[sflag:s15] =	ssyncadd.s32 $0xFFFFFFFF  }
0x96: {  	s16 =	sld [smem:$0x11];
	(tm) =	ssettm $0x1  }
0x97: {  	s17 =	sld [smem:$0x3FFB];
	_ =	sdelay $0x3  }
0x98: {  	_ =	strace s17  }
0x99: {  	s3 =	sld [smem:$0x3FFC];
	_ =	sdelay $0x3  }
0x9a: {  	_ =	strace s3  }
0x9b: {  	s3 =	sld [smem:$0x3FFD];
	_ =	sdelay $0x3  }
0x9c: {  	_ =	strace s3  }
0x9d: {  	_ =	strace $0x8FFFFFFF  }
0x9e: {  	s18 =	sld [smem:$0x3FDB];
	_ =	sdelay $0x1  }
0x9f: {  	s19 =	simm.s32 $_scs_section_size  }
0xa0: {  	s5 =	simm.s32 $_size__tile_overlayer_lowered;
	s6 =	simm.s32 $_tile_overlayer_lowered  }
0xa1: {  	s22 =	simm.s32 $0x1BFF;
	s21 =	sshll.u32 s6, $0x1;
	s3 =	sadd.s32 s19, s18  }
0xa2: {  	s7 =	simm.s32 $0x0;
	s20 =	sshll.u32 s5, $0x1;
	s5 =	sadd.s32 s21, s3  }
0xa3: {  	[timem:s7], [sflag:s22] =	dma.local [hbm:s5], s20  }
0xa4: {  	_ =	swait.ge [sflag:s22], s20  }
0xa5: {  	s4 =	ssub.s32 $0x0, s20;
	[sflag:s22] =	ssyncset.done $0x0  }
0xa6: {  	[sflag:s22] =	ssyncadd.s32 s4;
	_ =	sdelay $0x1  }
0xa7: {  	s23 =	simm.s32 $0x1B8B  }
0xa8: {  	_ =	swait.ge [sflag:s23], $0x1  }
0xa9: {  	[sflag:s23] =	ssyncset.done $0x0  }
0xaa: {  	s25 =	simm.s32 $0x1B8E;
	s24 =	sld [smem:$0x3FFE];
	[sflag:s23] =	ssyncadd.s32 $0xFFFFFFFF  }
0xab: {  	s26 =	simm.s32 $execute0_lowered;
	[smem:$0x3FD2] =	sst s25  }
0xac: {  	s5 =	sshll.u32 s26, $0x1;
	_ =	strace $0x80000046;
	[dreg:$0x1] =	wrdreg $0xFFFFFFFF  }
0xad: {  	s28 =	simm.s32 $_size_execute0_lowered;
	s3 =	sadd.s32 s3, s5;
	[dreg:$0x0] =	wrdreg $0x0  }
0xae: {  	s5 =	sshll.u32 s28, $0x1;
	[dreg:$0x2] =	wrdreg s3  }
0xaf: {  	[dreg:$0x3] =	wrdreg s5  }
0xb0: {  	[dreg:$0x4] =	wrdreg $0xC0  }
0xb1: {  	_ =	task [dreg:s7], $0x5FFFF  }
0xb2: {  	[dreg:$0x1] =	wrdreg $0xFFFFFFFF  }
0xb3: {  	[dreg:$0x0] =	wrdreg $0x60  }
0xb4: {  	[dreg:$0x2] =	wrdreg s24  }
0xb5: {  	[dreg:$0x3] =	wrdreg s16  }
0xb6: {  	[dreg:$0x4] =	wrdreg $0x9  }
0xb7: {  	_ =	task.clear_ibuf [dreg:s7], $0x5FFFF;
	_ =	strace $0x90000046  }
0xb8: {  	s29 =	simm.s32 $0x9;
	_ =	strace $0x80000048  }
0xb9: {  	_ =	swait.ge [sflag:s29], $0x1  }
0xba: {  	[sflag:s29] =	ssyncadd.s32 $0xFFFFFFFF  }
0xbb: {  	_ =	strace $0x90000048  }
0xbc: {  	_ =	sfence  }
0xbd: {  	s30 =	sld [smem:$0x0];
	_ =	sdelay $0x2  }
0xbe: {  	s31 =	sshll.u32 s1, $0xD;
	s1 =	sshrl.u32 s1, $0x2  }
0xbf: {  	s3 =	sand.u32 $0x4000, s31;
	s1 =	sadd.s32 s1, s30  }
0xc0: {  	s0 =	sor.u32 s3, s0;
	s1 =	sshll.u32 s1, $0x11  }
0xc1: {  	s0 =	sor.u32 s1, s0  }
0xc2: {  	s0 =	sadd.s32 $0x8F2B, s0  }
0xc3: {  	[sflag:s0] =	ssyncadd.remote.s32 $0x1  }
0xc4: {  	_ =	sfence.sel $0xFFFF  }
0xc5: {  	[dreg:$0x0] =	wrdreg $0xFFFFFFFF;
	(pc) =	sbr.abs _section_cstart, $3  }
0xc6: {  	[dreg:$0x1] =	wrdreg $0xFFFFFFFF  }
0xc7: {  	_ =	task.clear_ibuf [dreg:s7], $0x2FFFF;
	_ =	strace $0x9FFFFFFF  }
0xc8: {  	(tm) =	ssettm $0x7FFFFFFF  }
0xc9: {  	_ =	shalt  }
tec
execute0_lowered:
.L_overlay_start_1:
0x0: {  	(tag) =	ssettag $0x1  }
0x1: {  	s1 =	srdreg.scid  }
0x2: {  	s0 =	stileid.u32;
	s3 =	rddreg [dreg:$0x0]  }
0x3: {  	s5 =	rddreg [dreg:$0x1];
	s20 =	simm.s32 $0x1800;
	s21 =	simm.s32 $0x100  }
0x4: {  	s23 =	simm.s32 $0x2800;
	s24 =	simm.s32 $0x180;
	s25 =	simm.s32 $0x3800  }
0x5: {  	s26 =	simm.s32 $0x200;
	s7 =	simm.s32 $0x80;
	s11 =	simm.s32 $0x300  }
0x6: {  	s12 =	simm.s32 $0x6800;
	s13 =	simm.s32 $0x380;
	s14 =	simm.s32 $0x7800  }
0x7: {  	s15 =	simm.s32 $0x400;
	s16 =	simm.s32 $0x8800;
	s17 =	simm.s32 $0x480  }
0x8: {  	s18 =	simm.s32 $0x9800;
	s19 =	simm.s32 $0x500;
	s1 =	sand.u32 $0x1, s1  }
0x9: {  	p0 =	por $0x0, $0x0;
	s2 =	sshll.u32 s0, $0xC;
	s4 =	sshll.u32 s1, $0xB  }
0xa: {  	s28 =	simm.s32 $0x700;
	s4 =	sor.u32 s4, s2;
	s2 =	simm.s32 $0x0  }
0xb: {  	s29 =	simm.s32 $0xE800;
	s30 =	simm.s32 $0x780;
	[smem:$0x7FF] =	sst s2  }
0xc: {  	s1 =	ssub.s32 $0x2, s1;
	_ =	strace $0x80000047;
	[dreg:$0x5] =	wrdreg s20  }
0xd: {  	s31 =	simm.s32 $0xF800;
	s22 =	sshrl.u32 s1, $0x1;
	[dreg:$0x6] =	wrdreg s21  }
0xe: {  	s6 =	sshrl.u32 s4, $0x3;
	s4 =	sshll.u32 s4, $0x2;
	[dreg:$0x7] =	wrdreg s23  }
0xf: {  	s1 =	ssub.s32 s1, s22;
	s22 =	simm.s32 $0xB800;
	[dreg:$0x8] =	wrdreg s24  }
0x10: {  	s6 =	sadd.s32 s6, s3;
	s1 =	smax.u32 s1, $0x1;
	[dreg:$0x9] =	wrdreg s25  }
0x11: {  	s4 =	sadd.s32 s5, s4;
	[dreg:$0xa] =	wrdreg s26;
	p1 =	sne.s32 s1, $0x1  }
.Ltmp0:
0x12: {  	s20 =	simm.s32 $0xA800;
	s21 =	simm.s32 $0x580;
	(pc) =	sbr.rel @!p1 .LBB2_3-.Ltmp0, $4  }
0x13: {  	s23 =	simm.s32 $0x600;
	s24 =	simm.s32 $0xC800;
	s25 =	simm.s32 $0x680  }
0x14: {  	s26 =	simm.s32 $0xD800;
	s5 =	simm.s32 $0x1;
	s6 =	sadd.s32 $0x2C00, s6  }
0x15: {  	[dreg:$0x4] =	wrdreg s4;
	s4 =	simm.s32 $0x800;
	s8 =	sadd.s32 $0xFFFFFFFF, s1  }
0x16: {  	[dreg:$0x3] =	wrdreg s6;
	s6 =	sadd.s32 $0x1C00, s3;
	s3 =	simm.s32 $0x2  }
0x17: {  	s0 =	rddreg [dreg:$0x3]  }
0x18: {  	[tilespmem:s2], [sflag:$0x2] =	stream.linear.gather [hbm4b:s0+s2], $0x800, $0x38;
	[tilespmem:$0x10800] =	vst v63  }
0x19: {  	_ =	swait.ge [sflag:s3], $0x800  }
0x1a: {  	s10 =	rddreg [dreg:$0x6]  }
0x1b: {  	s1 =	rddreg [dreg:$0x5]  }
0x1c: {  	s0 =	rddreg [dreg:$0x7]  }
0x1d: {  	[sflag:s3] =	ssyncset.done $0x0;
	[dreg:$0xb] =	wrdreg s10  }
0x1e: {  	[sflag:s3] =	ssyncadd.s32 $0xFFFFF800;
	s10 =	rddreg [dreg:$0x9]  }
0x1f: {  	[tilespmem:s4], [sflag:$0x1] =	stream.indirect.gather [hbm4b:s6+s7], $0x20, s2, s7, $0xb8;
	[tilespmem:$0x10800] =	vst v63  }
0x20: {  	[dreg:$0xc] =	wrdreg s10  }
0x21: {  	s10 =	rddreg [dreg:$0xb]  }
0x22: {  	[tilespmem:s1], [sflag:$0x1] =	stream.indirect.gather [hbm4b:s6+s7], $0x20, s7, s7, $0xb8;
	[tilespmem:$0x10800] =	vst v63  }
0x23: {  	s1 =	rddreg [dreg:$0x8]  }
0x24: {  	[tilespmem:s0], [sflag:$0x1] =	stream.indirect.gather [hbm4b:s6+s7], $0x20, s10, s7, $0xb8;
	[tilespmem:$0x10800] =	vst v63  }
0x25: {  	s10 =	rddreg [dreg:$0xc]  }
0x26: {  	[tilespmem:s10], [sflag:$0x1] =	stream.indirect.gather [hbm4b:s6+s7], $0x20, s1, s7, $0xb8;
	[tilespmem:$0x10800] =	vst v63  }
0x27: {  	s9 =	simm.s32 $0x4800;
	s0 =	rddreg [dreg:$0xa]  }
0x28: {  	[tilespmem:s9], [sflag:$0x1] =	stream.indirect.gather [hbm4b:s6+s7], $0x20, s0, s7, $0xb8;
	[tilespmem:$0x10800] =	vst v63  }
0x29: {  	s1 =	simm.s32 $0x280;
	s9 =	simm.s32 $0x5800  }
0x2a: {  	[tilespmem:s9], [sflag:$0x1] =	stream.indirect.gather [hbm4b:s6+s7], $0x20, s1, s7, $0xb8;
	[tilespmem:$0x10800] =	vst v63  }
0x2b: {  	_ = 	snop  }
0x2c: {  	[tilespmem:s12], [sflag:$0x1] =	stream.indirect.gather [hbm4b:s6+s7], $0x20, s11, s7, $0xb8;
	[tilespmem:$0x10800] =	vst v63  }
0x2d: {  	_ = 	snop  }
0x2e: {  	[tilespmem:s14], [sflag:$0x1] =	stream.indirect.gather [hbm4b:s6+s7], $0x20, s13, s7, $0xb8;
	[tilespmem:$0x10800] =	vst v63  }
0x2f: {  	_ = 	snop  }
0x30: {  	[tilespmem:s16], [sflag:$0x1] =	stream.indirect.gather [hbm4b:s6+s7], $0x20, s15, s7, $0xb8;
	[tilespmem:$0x10800] =	vst v63  }
0x31: {  	_ = 	snop  }
0x32: {  	[tilespmem:s18], [sflag:$0x1] =	stream.indirect.gather [hbm4b:s6+s7], $0x20, s17, s7, $0xb8;
	[tilespmem:$0x10800] =	vst v63  }
0x33: {  	_ = 	snop  }
0x34: {  	[tilespmem:s20], [sflag:$0x1] =	stream.indirect.gather [hbm4b:s6+s7], $0x20, s19, s7, $0xb8;
	[tilespmem:$0x10800] =	vst v63  }
0x35: {  	_ = 	snop  }
0x36: {  	[tilespmem:s22], [sflag:$0x1] =	stream.indirect.gather [hbm4b:s6+s7], $0x20, s21, s7, $0xb8;
	[tilespmem:$0x10800] =	vst v63  }
0x37: {  	_ = 	snop  }
0x38: {  	[tilespmem:s24], [sflag:$0x1] =	stream.indirect.gather [hbm4b:s6+s7], $0x20, s23, s7, $0xb8;
	[tilespmem:$0x10800] =	vst v63  }
0x39: {  	_ = 	snop  }
0x3a: {  	[tilespmem:s26], [sflag:$0x1] =	stream.indirect.gather [hbm4b:s6+s7], $0x20, s25, s7, $0xb8;
	[tilespmem:$0x10800] =	vst v63  }
0x3b: {  	_ = 	snop  }
0x3c: {  	[tilespmem:s29], [sflag:$0x1] =	stream.indirect.gather [hbm4b:s6+s7], $0x20, s28, s7, $0xb8;
	[tilespmem:$0x10800] =	vst v63  }
0x3d: {  	_ = 	snop  }
0x3e: {  	[tilespmem:s31], [sflag:$0x1] =	stream.indirect.gather [hbm4b:s6+s7], $0x20, s30, s7, $0xb8;
	[tilespmem:$0x10800] =	vst v63  }
0x3f: {  	_ =	swait.ge [sflag:s5], $0x1000  }
0x40: {  	[sflag:s5] =	ssyncset.done $0x0  }
0x41: {  	[sflag:s5] =	ssyncadd.s32 $0xFFFFF000  }
0x42: {  	_ =	swait.ge [sflag:s5], $0x1000  }
0x43: {  	[sflag:s5] =	ssyncset.done $0x0  }
0x44: {  	[sflag:s5] =	ssyncadd.s32 $0xFFFFF000  }
0x45: {  	_ =	swait.ge [sflag:s5], $0x1000  }
0x46: {  	[sflag:s5] =	ssyncset.done $0x0  }
0x47: {  	[sflag:s5] =	ssyncadd.s32 $0xFFFFF000  }
0x48: {  	_ =	swait.ge [sflag:s5], $0x1000  }
0x49: {  	[sflag:s5] =	ssyncset.done $0x0  }
0x4a: {  	[sflag:s5] =	ssyncadd.s32 $0xFFFFF000  }
0x4b: {  	_ =	swait.ge [sflag:s5], $0x1000  }
0x4c: {  	[sflag:s5] =	ssyncset.done $0x0  }
0x4d: {  	[sflag:s5] =	ssyncadd.s32 $0xFFFFF000  }
0x4e: {  	_ =	swait.ge [sflag:s5], $0x1000  }
0x4f: {  	[sflag:s5] =	ssyncset.done $0x0  }
0x50: {  	[sflag:s5] =	ssyncadd.s32 $0xFFFFF000  }
0x51: {  	_ =	swait.ge [sflag:s5], $0x1000  }
0x52: {  	[sflag:s5] =	ssyncset.done $0x0  }
0x53: {  	[sflag:s5] =	ssyncadd.s32 $0xFFFFF000  }
0x54: {  	_ =	swait.ge [sflag:s5], $0x1000  }
0x55: {  	[sflag:s5] =	ssyncset.done $0x0  }
0x56: {  	[sflag:s5] =	ssyncadd.s32 $0xFFFFF000  }
0x57: {  	_ =	swait.ge [sflag:s5], $0x1000  }
0x58: {  	[sflag:s5] =	ssyncset.done $0x0  }
0x59: {  	[sflag:s5] =	ssyncadd.s32 $0xFFFFF000  }
0x5a: {  	_ =	swait.ge [sflag:s5], $0x1000  }
0x5b: {  	[sflag:s5] =	ssyncset.done $0x0  }
0x5c: {  	[sflag:s5] =	ssyncadd.s32 $0xFFFFF000  }
0x5d: {  	_ =	swait.ge [sflag:s5], $0x1000  }
0x5e: {  	[sflag:s5] =	ssyncset.done $0x0  }
0x5f: {  	[sflag:s5] =	ssyncadd.s32 $0xFFFFF000  }
0x60: {  	_ =	swait.ge [sflag:s5], $0x1000  }
0x61: {  	[sflag:s5] =	ssyncset.done $0x0  }
0x62: {  	[sflag:s5] =	ssyncadd.s32 $0xFFFFF000  }
0x63: {  	_ =	swait.ge [sflag:s5], $0x1000  }
0x64: {  	[sflag:s5] =	ssyncset.done $0x0  }
0x65: {  	[sflag:s5] =	ssyncadd.s32 $0xFFFFF000  }
0x66: {  	_ =	swait.ge [sflag:s5], $0x1000  }
0x67: {  	[sflag:s5] =	ssyncset.done $0x0  }
0x68: {  	[sflag:s5] =	ssyncadd.s32 $0xFFFFF000  }
0x69: {  	_ =	swait.ge [sflag:s5], $0x1000  }
0x6a: {  	p1 =	sne.s32 s8, $0x1;
	[sflag:s5] =	ssyncset.done $0x0  }
.Ltmp1:
0x6b: {  	[sflag:s5] =	ssyncadd.s32 $0xFFFFF000;
	(pc) =	sbr.rel @!p1 .LBB2_3-.Ltmp1, $4  }
0x6c: {  	_ =	swait.ge [sflag:s5], $0x1000  }
0x6d: {  	p0 =	por $0x1, $0x1;
	[sflag:s5] =	ssyncset.done $0x0  }
0x6e: {  	s1 =	sadd.s32 $0xFFFFFFFF, s8;
	s10 =	rddreg [dreg:$0x4];
	[sflag:s5] =	ssyncadd.s32 $0xFFFFF000  }
0x6f: {  	[hbm4b:s10+s2] =	stream.linear.scatter [tilespmem:s4], [sflag:$0x2], $0x10000, $0x38;
	[tilespmem:$0x10800] =	vst v63  }
.LBB2_2:
0x70: {  	_ =	swait.ge [sflag:s3], $0x10000  }
0x71: {  	[sflag:s3] =	ssyncset.done $0x0  }
0x72: {  	s0 =	rddreg [dreg:$0x3];
	[sflag:s3] =	ssyncadd.s32 $0xFFFF0000  }
0x73: {  	[tilespmem:s2], [sflag:$0x2] =	stream.linear.gather [hbm4b:s0+s2], $0x800, $0x38;
	[tilespmem:$0x10800] =	vst v63  }
0x74: {  	_ =	swait.ge [sflag:s3], $0x800  }
0x75: {  	s0 =	rddreg [dreg:$0x6];
	[sflag:s3] =	ssyncset.done $0x0  }
0x76: {  	s8 =	rddreg [dreg:$0x5];
	[sflag:s3] =	ssyncadd.s32 $0xFFFFF800  }
0x77: {  	[tilespmem:s4], [sflag:$0x1] =	stream.indirect.gather [hbm4b:s6+s7], $0x20, s2, s7, $0xb8;
	[tilespmem:$0x10800] =	vst v63  }
0x78: {  	s9 =	rddreg [dreg:$0x7]  }
0x79: {  	[tilespmem:s8], [sflag:$0x1] =	stream.indirect.gather [hbm4b:s6+s7], $0x20, s7, s7, $0xb8;
	[tilespmem:$0x10800] =	vst v63  }
0x7a: {  	s10 =	rddreg [dreg:$0x9]  }
0x7b: {  	[tilespmem:s9], [sflag:$0x1] =	stream.indirect.gather [hbm4b:s6+s7], $0x20, s0, s7, $0xb8;
	[tilespmem:$0x10800] =	vst v63  }
0x7c: {  	s8 =	rddreg [dreg:$0x8]  }
0x7d: {  	[tilespmem:s10], [sflag:$0x1] =	stream.indirect.gather [hbm4b:s6+s7], $0x20, s8, s7, $0xb8;
	[tilespmem:$0x10800] =	vst v63  }
0x7e: {  	s0 =	rddreg [dreg:$0xa];
	s8 =	simm.s32 $0x4800  }
0x7f: {  	[tilespmem:s8], [sflag:$0x1] =	stream.indirect.gather [hbm4b:s6+s7], $0x20, s0, s7, $0xb8;
	[tilespmem:$0x10800] =	vst v63  }
0x80: {  	s9 =	simm.s32 $0x280;
	s10 =	simm.s32 $0x5800  }
0x81: {  	[tilespmem:s10], [sflag:$0x1] =	stream.indirect.gather [hbm4b:s6+s7], $0x20, s9, s7, $0xb8;
	[tilespmem:$0x10800] =	vst v63  }
0x82: {  	_ = 	snop  }
0x83: {  	[tilespmem:s12], [sflag:$0x1] =	stream.indirect.gather [hbm4b:s6+s7], $0x20, s11, s7, $0xb8;
	[tilespmem:$0x10800] =	vst v63  }
0x84: {  	_ = 	snop  }
0x85: {  	[tilespmem:s14], [sflag:$0x1] =	stream.indirect.gather [hbm4b:s6+s7], $0x20, s13, s7, $0xb8;
	[tilespmem:$0x10800] =	vst v63  }
0x86: {  	_ = 	snop  }
0x87: {  	[tilespmem:s16], [sflag:$0x1] =	stream.indirect.gather [hbm4b:s6+s7], $0x20, s15, s7, $0xb8;
	[tilespmem:$0x10800] =	vst v63  }
0x88: {  	_ = 	snop  }
0x89: {  	[tilespmem:s18], [sflag:$0x1] =	stream.indirect.gather [hbm4b:s6+s7], $0x20, s17, s7, $0xb8;
	[tilespmem:$0x10800] =	vst v63  }
0x8a: {  	_ = 	snop  }
0x8b: {  	[tilespmem:s20], [sflag:$0x1] =	stream.indirect.gather [hbm4b:s6+s7], $0x20, s19, s7, $0xb8;
	[tilespmem:$0x10800] =	vst v63  }
0x8c: {  	_ = 	snop  }
0x8d: {  	[tilespmem:s22], [sflag:$0x1] =	stream.indirect.gather [hbm4b:s6+s7], $0x20, s21, s7, $0xb8;
	[tilespmem:$0x10800] =	vst v63  }
0x8e: {  	_ = 	snop  }
0x8f: {  	[tilespmem:s24], [sflag:$0x1] =	stream.indirect.gather [hbm4b:s6+s7], $0x20, s23, s7, $0xb8;
	[tilespmem:$0x10800] =	vst v63  }
0x90: {  	_ = 	snop  }
0x91: {  	[tilespmem:s26], [sflag:$0x1] =	stream.indirect.gather [hbm4b:s6+s7], $0x20, s25, s7, $0xb8;
	[tilespmem:$0x10800] =	vst v63  }
0x92: {  	_ = 	snop  }
0x93: {  	[tilespmem:s29], [sflag:$0x1] =	stream.indirect.gather [hbm4b:s6+s7], $0x20, s28, s7, $0xb8;
	[tilespmem:$0x10800] =	vst v63  }
0x94: {  	_ = 	snop  }
0x95: {  	[tilespmem:s31], [sflag:$0x1] =	stream.indirect.gather [hbm4b:s6+s7], $0x20, s30, s7, $0xb8;
	[tilespmem:$0x10800] =	vst v63  }
0x96: {  	_ =	swait.ge [sflag:s5], $0x1000  }
0x97: {  	[sflag:s5] =	ssyncset.done $0x0  }
0x98: {  	[sflag:s5] =	ssyncadd.s32 $0xFFFFF000  }
0x99: {  	_ =	swait.ge [sflag:s5], $0x1000  }
0x9a: {  	[sflag:s5] =	ssyncset.done $0x0  }
0x9b: {  	[sflag:s5] =	ssyncadd.s32 $0xFFFFF000  }
0x9c: {  	_ =	swait.ge [sflag:s5], $0x1000  }
0x9d: {  	[sflag:s5] =	ssyncset.done $0x0  }
0x9e: {  	[sflag:s5] =	ssyncadd.s32 $0xFFFFF000  }
0x9f: {  	_ =	swait.ge [sflag:s5], $0x1000  }
0xa0: {  	[sflag:s5] =	ssyncset.done $0x0  }
0xa1: {  	[sflag:s5] =	ssyncadd.s32 $0xFFFFF000  }
0xa2: {  	_ =	swait.ge [sflag:s5], $0x1000  }
0xa3: {  	[sflag:s5] =	ssyncset.done $0x0  }
0xa4: {  	[sflag:s5] =	ssyncadd.s32 $0xFFFFF000  }
0xa5: {  	_ =	swait.ge [sflag:s5], $0x1000  }
0xa6: {  	[sflag:s5] =	ssyncset.done $0x0  }
0xa7: {  	[sflag:s5] =	ssyncadd.s32 $0xFFFFF000  }
0xa8: {  	_ =	swait.ge [sflag:s5], $0x1000  }
0xa9: {  	[sflag:s5] =	ssyncset.done $0x0  }
0xaa: {  	[sflag:s5] =	ssyncadd.s32 $0xFFFFF000  }
0xab: {  	_ =	swait.ge [sflag:s5], $0x1000  }
0xac: {  	[sflag:s5] =	ssyncset.done $0x0  }
0xad: {  	[sflag:s5] =	ssyncadd.s32 $0xFFFFF000  }
0xae: {  	_ =	swait.ge [sflag:s5], $0x1000  }
0xaf: {  	[sflag:s5] =	ssyncset.done $0x0  }
0xb0: {  	[sflag:s5] =	ssyncadd.s32 $0xFFFFF000  }
0xb1: {  	_ =	swait.ge [sflag:s5], $0x1000  }
0xb2: {  	[sflag:s5] =	ssyncset.done $0x0  }
0xb3: {  	[sflag:s5] =	ssyncadd.s32 $0xFFFFF000  }
0xb4: {  	_ =	swait.ge [sflag:s5], $0x1000  }
0xb5: {  	[sflag:s5] =	ssyncset.done $0x0  }
0xb6: {  	[sflag:s5] =	ssyncadd.s32 $0xFFFFF000  }
0xb7: {  	_ =	swait.ge [sflag:s5], $0x1000  }
0xb8: {  	[sflag:s5] =	ssyncset.done $0x0  }
0xb9: {  	[sflag:s5] =	ssyncadd.s32 $0xFFFFF000  }
0xba: {  	_ =	swait.ge [sflag:s5], $0x1000  }
0xbb: {  	[sflag:s5] =	ssyncset.done $0x0  }
0xbc: {  	[sflag:s5] =	ssyncadd.s32 $0xFFFFF000  }
0xbd: {  	_ =	swait.ge [sflag:s5], $0x1000  }
0xbe: {  	[sflag:s5] =	ssyncset.done $0x0  }
0xbf: {  	[sflag:s5] =	ssyncadd.s32 $0xFFFFF000  }
0xc0: {  	_ =	swait.ge [sflag:s5], $0x1000  }
0xc1: {  	p1 =	sne.s32 s1, $0x1;
	[sflag:s5] =	ssyncset.done $0x0  }
.Ltmp2:
0xc2: {  	[sflag:s5] =	ssyncadd.s32 $0xFFFFF000;
	(pc) =	sbr.rel @p1 .LBB2_2-.Ltmp2, $4  }
0xc3: {  	_ =	swait.ge [sflag:s5], $0x1000  }
0xc4: {  	[sflag:s5] =	ssyncset.done $0x0  }
0xc5: {  	s1 =	sadd.s32 $0xFFFFFFFF, s1;
	s10 =	rddreg [dreg:$0x4];
	[sflag:s5] =	ssyncadd.s32 $0xFFFFF000  }
0xc6: {  	[hbm4b:s10+s2] =	stream.linear.scatter [tilespmem:s4], [sflag:$0x2], $0x10000, $0x38;
	[tilespmem:$0x10800] =	vst v63  }
.LBB2_3:
0xc7: {  	_ =	swait.ge @p0 [sflag:s3], $0x10000  }
0xc8: {  	[sflag:s3] =	ssyncset.done @p0 $0x0  }
0xc9: {  	s0 =	rddreg [dreg:$0x3];
	[sflag:s3] =	ssyncadd.s32 @p0 $0xFFFF0000  }
0xca: {  	[tilespmem:s2], [sflag:$0x2] =	stream.linear.gather [hbm4b:s0+s2], $0x800, $0x38;
	[tilespmem:$0x10800] =	vst v63  }
0xcb: {  	_ =	swait.ge [sflag:s3], $0x800  }
0xcc: {  	[sflag:s3] =	ssyncset.done $0x0;
	s10 =	rddreg [dreg:$0x5]  }
0xcd: {  	s0 =	rddreg [dreg:$0x6];
	[sflag:s3] =	ssyncadd.s32 $0xFFFFF800  }
0xce: {  	[tilespmem:s4], [sflag:$0x1] =	stream.indirect.gather [hbm4b:s6+s7], $0x20, s2, s7, $0xb8;
	[tilespmem:$0x10800] =	vst v63  }
0xcf: {  	s1 =	rddreg [dreg:$0x7]  }
0xd0: {  	[tilespmem:s10], [sflag:$0x1] =	stream.indirect.gather [hbm4b:s6+s7], $0x20, s7, s7, $0xb8;
	[tilespmem:$0x10800] =	vst v63  }
0xd1: {  	s8 =	rddreg [dreg:$0x9]  }
0xd2: {  	[tilespmem:s1], [sflag:$0x1] =	stream.indirect.gather [hbm4b:s6+s7], $0x20, s0, s7, $0xb8;
	[tilespmem:$0x10800] =	vst v63  }
0xd3: {  	s9 =	rddreg [dreg:$0x8]  }
0xd4: {  	[tilespmem:s8], [sflag:$0x1] =	stream.indirect.gather [hbm4b:s6+s7], $0x20, s9, s7, $0xb8;
	[tilespmem:$0x10800] =	vst v63  }
0xd5: {  	s10 =	simm.s32 $0x4800;
	s1 =	rddreg [dreg:$0xa]  }
0xd6: {  	[tilespmem:s10], [sflag:$0x1] =	stream.indirect.gather [hbm4b:s6+s7], $0x20, s1, s7, $0xb8;
	[tilespmem:$0x10800] =	vst v63  }
0xd7: {  	s9 =	simm.s32 $0x5800;
	s10 =	simm.s32 $0x280  }
0xd8: {  	[tilespmem:s9], [sflag:$0x1] =	stream.indirect.gather [hbm4b:s6+s7], $0x20, s10, s7, $0xb8;
	[tilespmem:$0x10800] =	vst v63  }
0xd9: {  	_ = 	snop  }
0xda: {  	[tilespmem:s12], [sflag:$0x1] =	stream.indirect.gather [hbm4b:s6+s7], $0x20, s11, s7, $0xb8;
	[tilespmem:$0x10800] =	vst v63  }
0xdb: {  	_ = 	snop  }
0xdc: {  	[tilespmem:s14], [sflag:$0x1] =	stream.indirect.gather [hbm4b:s6+s7], $0x20, s13, s7, $0xb8;
	[tilespmem:$0x10800] =	vst v63  }
0xdd: {  	_ = 	snop  }
0xde: {  	[tilespmem:s16], [sflag:$0x1] =	stream.indirect.gather [hbm4b:s6+s7], $0x20, s15, s7, $0xb8;
	[tilespmem:$0x10800] =	vst v63  }
0xdf: {  	_ = 	snop  }
0xe0: {  	[tilespmem:s18], [sflag:$0x1] =	stream.indirect.gather [hbm4b:s6+s7], $0x20, s17, s7, $0xb8;
	[tilespmem:$0x10800] =	vst v63  }
0xe1: {  	_ = 	snop  }
0xe2: {  	[tilespmem:s20], [sflag:$0x1] =	stream.indirect.gather [hbm4b:s6+s7], $0x20, s19, s7, $0xb8;
	[tilespmem:$0x10800] =	vst v63  }
0xe3: {  	_ = 	snop  }
0xe4: {  	[tilespmem:s22], [sflag:$0x1] =	stream.indirect.gather [hbm4b:s6+s7], $0x20, s21, s7, $0xb8;
	[tilespmem:$0x10800] =	vst v63  }
0xe5: {  	_ = 	snop  }
0xe6: {  	[tilespmem:s24], [sflag:$0x1] =	stream.indirect.gather [hbm4b:s6+s7], $0x20, s23, s7, $0xb8;
	[tilespmem:$0x10800] =	vst v63  }
0xe7: {  	_ = 	snop  }
0xe8: {  	[tilespmem:s26], [sflag:$0x1] =	stream.indirect.gather [hbm4b:s6+s7], $0x20, s25, s7, $0xb8;
	[tilespmem:$0x10800] =	vst v63  }
0xe9: {  	_ = 	snop  }
0xea: {  	[tilespmem:s29], [sflag:$0x1] =	stream.indirect.gather [hbm4b:s6+s7], $0x20, s28, s7, $0xb8;
	[tilespmem:$0x10800] =	vst v63  }
0xeb: {  	_ = 	snop  }
0xec: {  	[tilespmem:s31], [sflag:$0x1] =	stream.indirect.gather [hbm4b:s6+s7], $0x20, s30, s7, $0xb8;
	[tilespmem:$0x10800] =	vst v63  }
0xed: {  	_ =	swait.ge [sflag:s5], $0x1000  }
0xee: {  	[sflag:s5] =	ssyncset.done $0x0  }
0xef: {  	[sflag:s5] =	ssyncadd.s32 $0xFFFFF000  }
0xf0: {  	_ =	swait.ge [sflag:s5], $0x1000  }
0xf1: {  	[sflag:s5] =	ssyncset.done $0x0  }
0xf2: {  	[sflag:s5] =	ssyncadd.s32 $0xFFFFF000  }
0xf3: {  	_ =	swait.ge [sflag:s5], $0x1000  }
0xf4: {  	[sflag:s5] =	ssyncset.done $0x0  }
0xf5: {  	[sflag:s5] =	ssyncadd.s32 $0xFFFFF000  }
0xf6: {  	_ =	swait.ge [sflag:s5], $0x1000  }
0xf7: {  	[sflag:s5] =	ssyncset.done $0x0  }
0xf8: {  	[sflag:s5] =	ssyncadd.s32 $0xFFFFF000  }
0xf9: {  	_ =	swait.ge [sflag:s5], $0x1000  }
0xfa: {  	[sflag:s5] =	ssyncset.done $0x0  }
0xfb: {  	[sflag:s5] =	ssyncadd.s32 $0xFFFFF000  }
0xfc: {  	_ =	swait.ge [sflag:s5], $0x1000  }
0xfd: {  	[sflag:s5] =	ssyncset.done $0x0  }
0xfe: {  	[sflag:s5] =	ssyncadd.s32 $0xFFFFF000  }
0xff: {  	_ =	swait.ge [sflag:s5], $0x1000  }
0x100: {  	[sflag:s5] =	ssyncset.done $0x0  }
0x101: {  	[sflag:s5] =	ssyncadd.s32 $0xFFFFF000  }
0x102: {  	_ =	swait.ge [sflag:s5], $0x1000  }
0x103: {  	[sflag:s5] =	ssyncset.done $0x0  }
0x104: {  	[sflag:s5] =	ssyncadd.s32 $0xFFFFF000  }
0x105: {  	_ =	swait.ge [sflag:s5], $0x1000  }
0x106: {  	[sflag:s5] =	ssyncset.done $0x0  }
0x107: {  	[sflag:s5] =	ssyncadd.s32 $0xFFFFF000  }
0x108: {  	_ =	swait.ge [sflag:s5], $0x1000  }
0x109: {  	[sflag:s5] =	ssyncset.done $0x0  }
0x10a: {  	[sflag:s5] =	ssyncadd.s32 $0xFFFFF000  }
0x10b: {  	_ =	swait.ge [sflag:s5], $0x1000  }
0x10c: {  	[sflag:s5] =	ssyncset.done $0x0  }
0x10d: {  	[sflag:s5] =	ssyncadd.s32 $0xFFFFF000  }
0x10e: {  	_ =	swait.ge [sflag:s5], $0x1000  }
0x10f: {  	[sflag:s5] =	ssyncset.done $0x0  }
0x110: {  	[sflag:s5] =	ssyncadd.s32 $0xFFFFF000  }
0x111: {  	_ =	swait.ge [sflag:s5], $0x1000  }
0x112: {  	[sflag:s5] =	ssyncset.done $0x0  }
0x113: {  	[sflag:s5] =	ssyncadd.s32 $0xFFFFF000  }
0x114: {  	_ =	swait.ge [sflag:s5], $0x1000  }
0x115: {  	[sflag:s5] =	ssyncset.done $0x0  }
0x116: {  	[sflag:s5] =	ssyncadd.s32 $0xFFFFF000  }
0x117: {  	_ =	swait.ge [sflag:s5], $0x1000  }
0x118: {  	[sflag:s5] =	ssyncset.done $0x0  }
0x119: {  	[sflag:s5] =	ssyncadd.s32 $0xFFFFF000  }
0x11a: {  	_ =	swait.ge [sflag:s5], $0x1000  }
0x11b: {  	[sflag:s5] =	ssyncset.done $0x0  }
0x11c: {  	s30 =	rddreg [dreg:$0x4];
	[sflag:s5] =	ssyncadd.s32 $0xFFFFF000  }
0x11d: {  	[hbm4b:s30+s2] =	stream.linear.scatter [tilespmem:s4], [sflag:$0x2], $0x10000, $0x38;
	[tilespmem:$0x10800] =	vst v63  }
0x11e: {  	_ =	swait.ge [sflag:s3], $0x10000  }
0x11f: {  	[sflag:s3] =	ssyncset.done $0x0  }
0x120: {  	[sflag:s3] =	ssyncadd.s32 $0xFFFF0000  }
0x121: {  	_ =	sfence.sel $0x180000  }
0x122: {  	[bflag:$0x0] =	sbarrier.arrive $0xFFFF  }
0x123: {  	_ =	strace $0x90000047  }
0x124: {  	s31 =	stileid.u32;
	[bflag:$0x2] =	sbarrier.arrive $0xFFFF  }
0x125: {  	p0 =	sne.s32 s31, $0x0;
	s0 =	rddreg [dreg:$0x2]  }
0x126: {  	s0 =	sadd.s32 @!p0 $0x100000, s0  }
0x127: {  	[sflag:s0] =	ssyncadd.tile.s32 @!p0 $0x1;
	_ =	shalt  }
.Lfunc_end2:
_tile_overlayer_lowered:
.L_overlay_start_2:
0x128: {  	(tag) =	ssettag $0x2  }
0x129: {  	s0 =	rddreg [dreg:$0x0];
	s2 =	stileid.u32  }
0x12a: {  	s1 =	rddreg [dreg:$0x1];
	p0 =	sne.s32 s2, $0x0  }
0x12b: {  	s3 =	rddreg [dreg:$0x2];
	[bflag:$0x3] =	sbarrier.arrive $0xFFFF;
	s2 =	simm.s32 @!p0 $0x1C02  }
0x12c: {  	[timem:s3], [sflag:s2] =	dma.local @!p0 [hbm:s0], s1  }
0x12d: {  	s0 =	simm.s32 @!p0 $0x2  }
0x12e: {  	_ =	swait.ge @!p0 [sflag:s0], s1  }
0x12f: {  	s1 =	ssub.s32 @!p0 $0x0, s1;
	[sflag:s0] =	ssyncset.done @!p0 $0x0  }
0x130: {  	[sflag:s0] =	ssyncadd.s32 @!p0 s1  }
0x131: {  	[bflag:$0x3] =	sbarrier.arrive $0xFFFF  }
0x132: {  	_ =	shalt  }

</sc_bundles>
